<compile_context>
chip_gen: v7x
topology: tpu7x:2x2x1
jax: 0.10.2.dev20260603
libtpu: 0.0.44.dev20260713+nightly
codegen_flags: <defaults>
</compile_context>

<pallas_src>
import functools

import jax
import jax.numpy as jnp
from jax import lax
from jax.experimental import pallas as pl
from jax.experimental.pallas import tpu as pltpu
from jax.experimental.pallas import tpu_sc as plsc

_K = 8
_SUB = 4
_BR = 256
_BRANK = 512
_BM = 256
_DS = 128


def _knn_kernel(xr_ref, xa_ref, x2r_ref, x2c_ref, drow_ref, dcol_ref):
    xr = xr_ref[0]
    xa = xa_ref[0]
    n = xa.shape[0]
    dotv = jax.lax.dot_general(xr, xa, (((1,), (1,)), ((), ())),
                               preferred_element_type=jnp.float32)
    x2r = x2r_ref[0]
    x2c = x2c_ref[0]
    d2 = (x2r + x2c) - 2.0 * dotv
    d2 = jnp.maximum(d2, 0.0)
    ms, cnts = [], []
    for _ in range(_K):
        m = jnp.min(d2, axis=1, keepdims=True)
        eq = d2 == m
        cnts.append(jnp.sum(eq.astype(jnp.int32), axis=1, keepdims=True))
        d2 = jnp.where(eq, jnp.inf, d2)
        ms.append(jnp.sqrt(m))
    vals = [None] * _K
    prev = jnp.zeros_like(cnts[0])
    for j in range(_K):
        pj = prev + cnts[j]
        for i in range(_K):
            sel = (prev <= i) & (i < pj)
            v = jnp.where(sel, ms[j], 0.0)
            vals[i] = v if vals[i] is None else vals[i] + v
        prev = pj
    s1 = [vals[i] + vals[i + 4] for i in range(4)]
    s2 = [s1[0] + s1[2], s1[1] + s1[3]]
    dens = (s2[0] + s2[1]) * 0.125
    drow_ref[0, 0, :] = dens[:, 0]
    dcol_ref[0] = dens


def _rank_kernel(dcol_ref, drow_ref, rrow_ref):
    i = pl.program_id(1)
    dn = dcol_ref[0]
    dm = drow_ref[0]
    br, n = dn.shape[0], dm.shape[1]
    cols = jax.lax.broadcasted_iota(jnp.int32, (br, n), 1)
    rows = jax.lax.broadcasted_iota(jnp.int32, (br, n), 0) + i * br
    beats = (dm > dn) | ((dm == dn) & (cols < rows))
    rank = jnp.sum(beats.astype(jnp.int32), axis=1)
    rrow_ref[0, 0, :] = rank


def _inds_kernel(rrow_ref, i_ref):
    bb = pl.program_id(0)
    j = pl.program_id(1)
    rank = rrow_ref[0]
    bm = i_ref.shape[1]
    n = rank.shape[1]
    r = jax.lax.broadcasted_iota(jnp.int32, (bm, n), 0) + j * bm
    eq = rank == r
    cols = jax.lax.broadcasted_iota(jnp.int32, (bm, n), 1)
    inds = jnp.sum(jnp.where(eq, cols, 0), axis=1, keepdims=True)
    i_ref[0] = inds + bb * n


def _sc_gather_body(nw, bpw, feat_ref, side_ref, idx_ref,
                    of_ref, os_ref, idx_v, rowsf_v, rowss_v, sem):
    wid = lax.axis_index("s") * 2 + lax.axis_index("c")
    base = wid * bpw
    pltpu.sync_copy(idx_ref.at[pl.ds(base, bpw)], idx_v)
    pltpu.async_copy(feat_ref.at[idx_v], rowsf_v, sem).wait()
    pltpu.sync_copy(rowsf_v, of_ref.at[pl.ds(base, bpw)])
    pltpu.async_copy(side_ref.at[idx_v], rowss_v, sem).wait()
    pltpu.sync_copy(rowss_v, os_ref.at[pl.ds(base, bpw)])


def kernel(features, pos, cam_ids):
    b, n, c = features.shape
    m = n // _SUB
    x2 = jnp.sum(features * features, axis=-1)
    x2col = x2.reshape(b, n, 1)
    x2row = x2.reshape(b, 1, n)

    drow, dcol = pl.pallas_call(
        _knn_kernel,
        grid=(b, n // _BR),
        in_specs=[pl.BlockSpec((1, _BR, c), lambda bb, i: (bb, i, 0)),
                  pl.BlockSpec((1, n, c), lambda bb, i: (bb, 0, 0)),
                  pl.BlockSpec((1, _BR, 1), lambda bb, i: (bb, i, 0)),
                  pl.BlockSpec((1, 1, n), lambda bb, i: (bb, 0, 0))],
        out_specs=[pl.BlockSpec((1, 1, _BR), lambda bb, i: (bb, 0, i)),
                   pl.BlockSpec((1, _BR, 1), lambda bb, i: (bb, i, 0))],
        out_shape=[jax.ShapeDtypeStruct((b, 1, n), jnp.float32),
                   jax.ShapeDtypeStruct((b, n, 1), jnp.float32)],
    )(features, features, x2col, x2row)

    rankrow = pl.pallas_call(
        _rank_kernel,
        grid=(b, n // _BRANK),
        in_specs=[pl.BlockSpec((1, _BRANK, 1), lambda bb, i: (bb, i, 0)),
                  pl.BlockSpec((1, 1, n), lambda bb, i: (bb, 0, 0))],
        out_specs=pl.BlockSpec((1, 1, _BRANK), lambda bb, i: (bb, 0, i)),
        out_shape=jax.ShapeDtypeStruct((b, 1, n), jnp.int32),
    )(dcol, drow)

    inds = pl.pallas_call(
        _inds_kernel,
        grid=(b, m // _BM),
        in_specs=[pl.BlockSpec((1, 1, n), lambda bb, j: (bb, 0, 0))],
        out_specs=pl.BlockSpec((1, _BM, 1), lambda bb, j: (bb, j, 0)),
        out_shape=jax.ShapeDtypeStruct((b, m, 1), jnp.int32),
    )(rankrow)

    feat_tbl = features.reshape(b * n, c)
    side_tbl = jnp.concatenate(
        [pos, cam_ids.astype(jnp.float32)[..., None],
         jnp.zeros((b, n, _DS - 4), jnp.float32)], axis=-1).reshape(b * n, _DS)
    idx_flat = inds.reshape(b * m)

    total = b * m
    nw = 32
    bpw = total // nw
    mesh = plsc.VectorSubcoreMesh(core_axis_name="c", subcore_axis_name="s")
    gath = pl.kernel(
        functools.partial(_sc_gather_body, nw, bpw),
        mesh=mesh,
        out_type=[jax.ShapeDtypeStruct((total, c), jnp.float32),
                  jax.ShapeDtypeStruct((total, _DS), jnp.float32)],
        scratch_types=[pltpu.VMEM((bpw,), jnp.int32),
                       pltpu.VMEM((bpw, c), jnp.float32),
                       pltpu.VMEM((bpw, _DS), jnp.float32),
                       pltpu.SemaphoreType.DMA],
    )
    outf, outs = gath(feat_tbl, side_tbl, idx_flat)

    feats = outf.reshape(b, m, c)
    posg = outs[:, :3].reshape(b, m, 3)
    cam = outs[:, 3].astype(jnp.int32).reshape(b, m)
    return feats, posg, cam

# --- scband reference (transcript-rebuilt; emitter-appended) ---
"""Pipeline reference for scband-encoder-13761075216667 (READ-ONLY COPY).

The authoritative reference and input builder live on the scoring server;
editing this copy changes nothing except your own understanding.
"""

import jax, jax.numpy as jnp
import numpy as np

SUBSAMPLE_FACTOR = 4
KNN = 8


def setup_inputs(seed: int = 0) -> dict:
    key = jax.random.key(seed)
    k1, k2, k3 = jax.random.split(key, 3)
    features = jax.random.normal(k1, (4, 4096, 256), dtype=jnp.float32)
    pos = jax.random.normal(k2, (4, 4096, 3), dtype=jnp.float32)
    cam_ids = jax.random.randint(k3, (4, 4096), 0, 4, dtype=jnp.int32)
    return {"features": features, "pos": pos, "cam_ids": cam_ids}


def _cdist(x):
    # torch.cdist(x, x, p=2) equivalent via the expanded quadratic form
    x2 = jnp.sum(x * x, axis=-1)
    d2 = x2[:, :, None] + x2[:, None, :] - 2.0 * jnp.einsum('bnc,bmc->bnm', x, x)
    d2 = jnp.maximum(d2, 0.0)
    return jnp.sqrt(d2)


def density_based_sampler(features, subsample_factor, k=KNN):
    B, N, C = features.shape
    dists = _cdist(features)
    # smallest-k distances == -(top-k of negated distances)
    neg_knn, _ = jax.lax.top_k(-dists, k)
    knn_dists = -neg_knn
    density = jnp.mean(knn_dists, axis=-1)
    M = int(N // subsample_factor)
    _, sampled_inds = jax.lax.top_k(density, M)  # largest density
    return sampled_inds


def reference(features, pos, cam_ids):
    # Encoder.run_dps: density-based subsampling + gathers
    sampled_inds = density_based_sampler(jax.lax.stop_gradient(features), SUBSAMPLE_FACTOR, KNN)
    sampled_features = jnp.take_along_axis(features, sampled_inds[..., None], axis=1)
    sampled_pos = jnp.take_along_axis(pos, sampled_inds[..., None], axis=1)
    sampled_cam_ids = jnp.take_along_axis(cam_ids, sampled_inds, axis=1)
    return sampled_features, sampled_pos, sampled_cam_ids

if __name__ == "__main__":
    import jax
    _d = setup_inputs()
    print(jax.jit(kernel)(*tuple(_d.values())))

</pallas_src>

<mosaic_0001>
#map = affine_map<(d0, d1) -> (0, 0)>
#map1 = affine_map<(d0, d1) -> (0)>
module attributes {stable_mosaic.version = 14 : i64} {
  func.func @_sc_gather_body(%arg0: i32, %arg1: i32, %arg2: memref<16384x256xf32, #tpu.memory_space<hbm>>, %arg3: memref<16384x128xf32, #tpu.memory_space<hbm>>, %arg4: memref<4096xi32, #tpu.memory_space<hbm>>, %arg5: memref<4096x256xf32, #tpu.memory_space<hbm>>, %arg6: memref<4096x128xf32, #tpu.memory_space<hbm>>, %arg7: memref<128xi32, #tpu.memory_space<vmem>>, %arg8: memref<128x256xf32, #tpu.memory_space<vmem>>, %arg9: memref<128x128xf32, #tpu.memory_space<vmem>>, %arg10: memref<!tpu.dma_semaphore, #tpu.memory_space<semaphore_mem>>) attributes {dimension_semantics = [#tpu.dimension_semantics<core_parallel>, #tpu.dimension_semantics<subcore_parallel>], iteration_bounds = array<i64: 2, 16>, scalar_prefetch = 0 : i64, scratch_operands = 4 : i64, tpu.core_type = #tpu.core_type<sc_vector_subcore>, window_params = [{transform_indices = #map}, {transform_indices = #map}, {transform_indices = #map1}, {transform_indices = #map}, {transform_indices = #map}]} {
    %mul3A = arith.constant 2 : i32
    %mul3A_0 = arith.muli %arg1, %mul3A : i32
    %add3A = arith.addi %mul3A_0, %arg0 : i32
    %mul3A_1 = arith.constant 128 : i32
    %mul3A_2 = arith.muli %add3A, %mul3A_1 : i32
    "tpu.region"() ({
      %run_scoped3A = tpu.sem_alloc : memref<!tpu.dma_semaphore, #tpu.memory_space<semaphore_mem>>
      %dma_start3A_13 = tpu.memref_slice %arg4[%mul3A_2] : memref<4096xi32, #tpu.memory_space<hbm>> -> memref<128xi32, #tpu.memory_space<hbm>>
      %dma_start3A_14 = tpu.memref_slice %arg4[%mul3A_2] : memref<4096xi32, #tpu.memory_space<hbm>> -> memref<128xi32, #tpu.memory_space<hbm>>
      tpu.enqueue_dma source(%dma_start3A_14 : memref<128xi32, #tpu.memory_space<hbm>>) target(%arg7 : memref<128xi32, #tpu.memory_space<vmem>>) target_semaphore(%run_scoped3A : memref<!tpu.dma_semaphore, #tpu.memory_space<semaphore_mem>>)
      %dma_wait3A_15 = tpu.memref_slice %arg4[%mul3A_2] : memref<4096xi32, #tpu.memory_space<hbm>> -> memref<128xi32, #tpu.memory_space<hbm>>
      %dma_wait3A_16 = tpu.memref_slice %arg4[%mul3A_2] : memref<4096xi32, #tpu.memory_space<hbm>> -> memref<128xi32, #tpu.memory_space<hbm>>
      tpu.wait_dma2 semaphore(%run_scoped3A : memref<!tpu.dma_semaphore, #tpu.memory_space<semaphore_mem>>) src(%dma_wait3A_16 : memref<128xi32, #tpu.memory_space<hbm>>) dst(%arg7 : memref<128xi32, #tpu.memory_space<vmem>>)
      tpu.yield
    }) : () -> ()
    %dma_start3A = arith.constant 0 : i32
    %dma_start3A_3 = arith.constant 0 : i32
    %dma_start3A_4 = tpu.memref_slice %arg2[%dma_start3A, %dma_start3A_3] : memref<16384x256xf32, #tpu.memory_space<hbm>> -> memref<16384x256xf32, #tpu.memory_space<hbm>>
    tpu.enqueue_indirect_dma source(%dma_start3A_4 : memref<16384x256xf32, #tpu.memory_space<hbm>>) target(%arg8 : memref<128x256xf32, #tpu.memory_space<vmem>>) offsets(%arg7 : memref<128xi32, #tpu.memory_space<vmem>>) semaphore(%arg10 : memref<!tpu.dma_semaphore, #tpu.memory_space<semaphore_mem>>)
    %dma_wait3A = arith.constant 0 : i32
    %dma_wait3A_5 = arith.constant 0 : i32
    %dma_wait3A_6 = tpu.memref_slice %arg2[%dma_wait3A, %dma_wait3A_5] : memref<16384x256xf32, #tpu.memory_space<hbm>> -> memref<16384x256xf32, #tpu.memory_space<hbm>>
    tpu.wait_indirect_dma semaphore(%arg10 : memref<!tpu.dma_semaphore, #tpu.memory_space<semaphore_mem>>) src(%dma_wait3A_6 : memref<16384x256xf32, #tpu.memory_space<hbm>>) dst(%arg8 : memref<128x256xf32, #tpu.memory_space<vmem>>)
    "tpu.region"() ({
      %run_scoped3A = tpu.sem_alloc : memref<!tpu.dma_semaphore, #tpu.memory_space<semaphore_mem>>
      %dma_start3A_13 = arith.constant 0 : i32
      %dma_start3A_14 = tpu.memref_slice %arg5[%mul3A_2, %dma_start3A_13] : memref<4096x256xf32, #tpu.memory_space<hbm>> -> memref<128x256xf32, #tpu.memory_space<hbm>>
      %dma_start3A_15 = arith.constant 0 : i32
      %dma_start3A_16 = tpu.memref_slice %arg5[%mul3A_2, %dma_start3A_15] : memref<4096x256xf32, #tpu.memory_space<hbm>> -> memref<128x256xf32, #tpu.memory_space<hbm>>
      tpu.enqueue_dma source(%arg8 : memref<128x256xf32, #tpu.memory_space<vmem>>) target(%dma_start3A_16 : memref<128x256xf32, #tpu.memory_space<hbm>>) target_semaphore(%run_scoped3A : memref<!tpu.dma_semaphore, #tpu.memory_space<semaphore_mem>>)
      %dma_wait3A_17 = arith.constant 0 : i32
      %dma_wait3A_18 = tpu.memref_slice %arg5[%mul3A_2, %dma_wait3A_17] : memref<4096x256xf32, #tpu.memory_space<hbm>> -> memref<128x256xf32, #tpu.memory_space<hbm>>
      %dma_wait3A_19 = arith.constant 0 : i32
      %dma_wait3A_20 = tpu.memref_slice %arg5[%mul3A_2, %dma_wait3A_19] : memref<4096x256xf32, #tpu.memory_space<hbm>> -> memref<128x256xf32, #tpu.memory_space<hbm>>
      tpu.wait_dma2 semaphore(%run_scoped3A : memref<!tpu.dma_semaphore, #tpu.memory_space<semaphore_mem>>) src(%arg8 : memref<128x256xf32, #tpu.memory_space<vmem>>) dst(%dma_wait3A_20 : memref<128x256xf32, #tpu.memory_space<hbm>>)
      tpu.yield
    }) : () -> ()
    %dma_start3A_7 = arith.constant 0 : i32
    %dma_start3A_8 = arith.constant 0 : i32
    %dma_start3A_9 = tpu.memref_slice %arg3[%dma_start3A_7, %dma_start3A_8] : memref<16384x128xf32, #tpu.memory_space<hbm>> -> memref<16384x128xf32, #tpu.memory_space<hbm>>
    tpu.enqueue_indirect_dma source(%dma_start3A_9 : memref<16384x128xf32, #tpu.memory_space<hbm>>) target(%arg9 : memref<128x128xf32, #tpu.memory_space<vmem>>) offsets(%arg7 : memref<128xi32, #tpu.memory_space<vmem>>) semaphore(%arg10 : memref<!tpu.dma_semaphore, #tpu.memory_space<semaphore_mem>>)
    %dma_wait3A_10 = arith.constant 0 : i32
    %dma_wait3A_11 = arith.constant 0 : i32
    %dma_wait3A_12 = tpu.memref_slice %arg3[%dma_wait3A_10, %dma_wait3A_11] : memref<16384x128xf32, #tpu.memory_space<hbm>> -> memref<16384x128xf32, #tpu.memory_space<hbm>>
    tpu.wait_indirect_dma semaphore(%arg10 : memref<!tpu.dma_semaphore, #tpu.memory_space<semaphore_mem>>) src(%dma_wait3A_12 : memref<16384x128xf32, #tpu.memory_space<hbm>>) dst(%arg9 : memref<128x128xf32, #tpu.memory_space<vmem>>)
    "tpu.region"() ({
      %run_scoped3A = tpu.sem_alloc : memref<!tpu.dma_semaphore, #tpu.memory_space<semaphore_mem>>
      %dma_start3A_13 = arith.constant 0 : i32
      %dma_start3A_14 = tpu.memref_slice %arg6[%mul3A_2, %dma_start3A_13] : memref<4096x128xf32, #tpu.memory_space<hbm>> -> memref<128x128xf32, #tpu.memory_space<hbm>>
      %dma_start3A_15 = arith.constant 0 : i32
      %dma_start3A_16 = tpu.memref_slice %arg6[%mul3A_2, %dma_start3A_15] : memref<4096x128xf32, #tpu.memory_space<hbm>> -> memref<128x128xf32, #tpu.memory_space<hbm>>
      tpu.enqueue_dma source(%arg9 : memref<128x128xf32, #tpu.memory_space<vmem>>) target(%dma_start3A_16 : memref<128x128xf32, #tpu.memory_space<hbm>>) target_semaphore(%run_scoped3A : memref<!tpu.dma_semaphore, #tpu.memory_space<semaphore_mem>>)
      %dma_wait3A_17 = arith.constant 0 : i32
      %dma_wait3A_18 = tpu.memref_slice %arg6[%mul3A_2, %dma_wait3A_17] : memref<4096x128xf32, #tpu.memory_space<hbm>> -> memref<128x128xf32, #tpu.memory_space<hbm>>
      %dma_wait3A_19 = arith.constant 0 : i32
      %dma_wait3A_20 = tpu.memref_slice %arg6[%mul3A_2, %dma_wait3A_19] : memref<4096x128xf32, #tpu.memory_space<hbm>> -> memref<128x128xf32, #tpu.memory_space<hbm>>
      tpu.wait_dma2 semaphore(%run_scoped3A : memref<!tpu.dma_semaphore, #tpu.memory_space<semaphore_mem>>) src(%arg9 : memref<128x128xf32, #tpu.memory_space<vmem>>) dst(%dma_wait3A_20 : memref<128x128xf32, #tpu.memory_space<hbm>>)
      tpu.yield
    }) : () -> ()
    return
  }
}

module attributes {stable_mosaic.version = 14 : i64} {
  func.func @_rank_kernel(%arg0: i32, %arg1: i32, %arg2: memref<1x512x1xf32, #tpu.memory_space<vmem>>, %arg3: memref<1x1x4096xf32, #tpu.memory_space<vmem>>, %arg4: memref<1x1x512xi32, #tpu.memory_space<vmem>>) attributes {dimension_semantics = [#tpu.dimension_semantics<arbitrary>, #tpu.dimension_semantics<arbitrary>], iteration_bounds = array<i64: 4, 8>, scalar_prefetch = 0 : i64, scratch_operands = 0 : i64, tpu.core_type = #tpu.core_type<tc>, window_params = [{transform_indices = @transform_0, window_bounds = array<i64: 1, 512, 1>}, {transform_indices = @transform_1, window_bounds = array<i64: 1, 1, 4096>}, {transform_indices = @transform_2, window_bounds = array<i64: 1, 1, 512>}]} {
    %get3A = arith.constant 0 : index
    %get3A_0 = arith.constant 0 : index
    %get3A_1 = arith.constant 0 : index
    %get3A_2 = vector.load %arg2[%get3A, %get3A_0, %get3A_1] : memref<1x512x1xf32, #tpu.memory_space<vmem>>, vector<1x512x1xf32>
    %get3A_3 = vector.shape_cast %get3A_2 : vector<1x512x1xf32> to vector<512x1xf32>
    %get3A_4 = arith.constant 0 : index
    %get3A_5 = arith.constant 0 : index
    %get3A_6 = arith.constant 0 : index
    %get3A_7 = vector.load %arg3[%get3A_4, %get3A_5, %get3A_6] : memref<1x1x4096xf32, #tpu.memory_space<vmem>>, vector<1x1x4096xf32>
    %get3A_8 = vector.shape_cast %get3A_7 : vector<1x1x4096xf32> to vector<1x4096xf32>
    %iota3A = tpu.iota {dimensions = array<i32: 1>} : vector<512x4096xi32>
    %iota3A_9 = tpu.iota {dimensions = array<i32: 0>} : vector<512x4096xi32>
    %mul3A = arith.constant 512 : i32
    %mul3A_10 = arith.muli %arg1, %mul3A : i32
    %add3A = vector.broadcast %mul3A_10 : i32 to vector<512x4096xi32>
    %add3A_11 = arith.addi %iota3A_9, %add3A : vector<512x4096xi32>
    %gt3A = vector.broadcast %get3A_8 : vector<1x4096xf32> to vector<512x4096xf32>
    %gt3A_12 = vector.broadcast %get3A_3 : vector<512x1xf32> to vector<512x4096xf32>
    %gt3A_13 = arith.cmpf ogt, %gt3A, %gt3A_12 : vector<512x4096xf32>
    %eq3A = vector.broadcast %get3A_8 : vector<1x4096xf32> to vector<512x4096xf32>
    %eq3A_14 = vector.broadcast %get3A_3 : vector<512x1xf32> to vector<512x4096xf32>
    %eq3A_15 = arith.cmpf oeq, %eq3A, %eq3A_14 : vector<512x4096xf32>
    %lt3A = arith.cmpi slt, %iota3A, %add3A_11 : vector<512x4096xi32>
    %and3A = arith.andi %eq3A_15, %lt3A : vector<512x4096xi1>
    %or3A = arith.ori %gt3A_13, %and3A : vector<512x4096xi1>
    %convert_element_type3A = arith.extui %or3A : vector<512x4096xi1> to vector<512x4096xi32>
    %reduce_sum3A = arith.constant dense<0> : vector<512xi32>
    %reduce_sum3A_16 = vector.multi_reduction <add>, %convert_element_type3A, %reduce_sum3A [1] : vector<512x4096xi32> to vector<512xi32>
    %swap3A = arith.constant 0 : index
    %swap3A_17 = arith.constant 0 : index
    %swap3A_18 = arith.constant 0 : index
    %swap3A_19 = vector.load %arg4[%swap3A, %swap3A_17, %swap3A_18] : memref<1x1x512xi32, #tpu.memory_space<vmem>>, vector<1x1x512xi32>
    %swap3A_20 = vector.shape_cast %swap3A_19 : vector<1x1x512xi32> to vector<512xi32>
    %swap3A_21 = vector.shape_cast %reduce_sum3A_16 : vector<512xi32> to vector<1x1x512xi32>
    tpu.vector_store %arg4[%swap3A, %swap3A_17, %swap3A_18], %swap3A_21 {strides = array<i32>} : memref<1x1x512xi32, #tpu.memory_space<vmem>>, vector<1x1x512xi32>,
    return
  }
  func.func @transform_0(%arg0: i32, %arg1: i32) -> (i32, i32, i32) {
    %c0_i32 = arith.constant 0 : i32
    %c0_i32_0 = arith.constant 0 : i32
    return %arg0, %arg1, %c0_i32 : i32, i32, i32
  }
  func.func @transform_1(%arg0: i32, %arg1: i32) -> (i32, i32, i32) {
    %c0_i32 = arith.constant 0 : i32
    %c0_i32_0 = arith.constant 0 : i32
    %c0_i32_1 = arith.constant 0 : i32
    return %arg0, %c0_i32, %c0_i32_0 : i32, i32, i32
  }
  func.func @transform_2(%arg0: i32, %arg1: i32) -> (i32, i32, i32) {
    %c0_i32 = arith.constant 0 : i32
    %c0_i32_0 = arith.constant 0 : i32
    return %arg0, %c0_i32, %arg1 : i32, i32, i32
  }
}

module attributes {stable_mosaic.version = 14 : i64} {
  func.func @_knn_kernel(%arg0: i32, %arg1: i32, %arg2: memref<1x256x256xf32, #tpu.memory_space<vmem>>, %arg3: memref<1x4096x256xf32, #tpu.memory_space<vmem>>, %arg4: memref<1x256x1xf32, #tpu.memory_space<vmem>>, %arg5: memref<1x1x4096xf32, #tpu.memory_space<vmem>>, %arg6: memref<1x1x256xf32, #tpu.memory_space<vmem>>, %arg7: memref<1x256x1xf32, #tpu.memory_space<vmem>>) attributes {dimension_semantics = [#tpu.dimension_semantics<arbitrary>, #tpu.dimension_semantics<arbitrary>], iteration_bounds = array<i64: 4, 16>, scalar_prefetch = 0 : i64, scratch_operands = 0 : i64, tpu.core_type = #tpu.core_type<tc>, window_params = [{transform_indices = @transform_0, window_bounds = array<i64: 1, 256, 256>}, {transform_indices = @transform_1, window_bounds = array<i64: 1, 4096, 256>}, {transform_indices = @transform_2, window_bounds = array<i64: 1, 256, 1>}, {transform_indices = @transform_3, window_bounds = array<i64: 1, 1, 4096>}, {transform_indices = @transform_4, window_bounds = array<i64: 1, 1, 256>}, {transform_indices = @transform_5, window_bounds = array<i64: 1, 256, 1>}]} {
    %get3A = arith.constant 0 : index
    %get3A_0 = arith.constant 0 : index
    %get3A_1 = arith.constant 0 : index
    %get3A_2 = vector.load %arg2[%get3A, %get3A_0, %get3A_1] : memref<1x256x256xf32, #tpu.memory_space<vmem>>, vector<1x256x256xf32>
    %get3A_3 = vector.shape_cast %get3A_2 : vector<1x256x256xf32> to vector<256x256xf32>
    %get3A_4 = arith.constant 0 : index
    %get3A_5 = arith.constant 0 : index
    %get3A_6 = arith.constant 0 : index
    %get3A_7 = vector.load %arg3[%get3A_4, %get3A_5, %get3A_6] : memref<1x4096x256xf32, #tpu.memory_space<vmem>>, vector<1x4096x256xf32>
    %get3A_8 = vector.shape_cast %get3A_7 : vector<1x4096x256xf32> to vector<4096x256xf32>
    %dot_general3A = arith.constant dense<0.000000e+00> : vector<256x4096xf32>
    %dot_general3A_9 = tpu.matmul %get3A_3, %get3A_8, %dot_general3A {dimension_numbers = #tpu.dot_dimension_numbers<[1], [1], [0], [0], [0, 0, 1, 0], [], []>, transpose_lhs_hint = false} : vector<256x256xf32>, vector<4096x256xf32>, vector<256x4096xf32> -> vector<256x4096xf32>
    %get3A_10 = arith.constant 0 : index
    %get3A_11 = arith.constant 0 : index
    %get3A_12 = arith.constant 0 : index
    %get3A_13 = vector.load %arg4[%get3A_10, %get3A_11, %get3A_12] : memref<1x256x1xf32, #tpu.memory_space<vmem>>, vector<1x256x1xf32>
    %get3A_14 = vector.shape_cast %get3A_13 : vector<1x256x1xf32> to vector<256x1xf32>
    %get3A_15 = arith.constant 0 : index
    %get3A_16 = arith.constant 0 : index
    %get3A_17 = arith.constant 0 : index
    %get3A_18 = vector.load %arg5[%get3A_15, %get3A_16, %get3A_17] : memref<1x1x4096xf32, #tpu.memory_space<vmem>>, vector<1x1x4096xf32>
    %get3A_19 = vector.shape_cast %get3A_18 : vector<1x1x4096xf32> to vector<1x4096xf32>
    %add3A = vector.broadcast %get3A_14 : vector<256x1xf32> to vector<256x4096xf32>
    %add3A_20 = vector.broadcast %get3A_19 : vector<1x4096xf32> to vector<256x4096xf32>
    %add3A_21 = arith.addf %add3A, %add3A_20 : vector<256x4096xf32>
    %mul3A = arith.constant 2.000000e+00 : f32
    %mul3A_22 = vector.broadcast %mul3A : f32 to vector<256x4096xf32>
    %mul3A_23 = arith.mulf %mul3A_22, %dot_general3A_9 : vector<256x4096xf32>
    %sub3A = arith.subf %add3A_21, %mul3A_23 : vector<256x4096xf32>
    %max3A = arith.constant 0.000000e+00 : f32
    %max3A_24 = vector.broadcast %max3A : f32 to vector<256x4096xf32>
    %max3A_25 = arith.maximumf %sub3A, %max3A_24 : vector<256x4096xf32>
    %reduce_min3A = arith.constant dense<0x7F800000> : vector<256xf32>
    %reduce_min3A_26 = vector.multi_reduction <minimumf>, %max3A_25, %reduce_min3A [1] : vector<256x4096xf32> to vector<256xf32>
    %broadcast_in_dim3A = vector.shape_cast %reduce_min3A_26 : vector<256xf32> to vector<256x1xf32>
    %eq3A = vector.broadcast %broadcast_in_dim3A : vector<256x1xf32> to vector<256x4096xf32>
    %eq3A_27 = arith.cmpf oeq, %max3A_25, %eq3A : vector<256x4096xf32>
    %convert_element_type3A = arith.extui %eq3A_27 : vector<256x4096xi1> to vector<256x4096xi32>
    %reduce_sum3A = arith.constant dense<0> : vector<256xi32>
    %reduce_sum3A_28 = vector.multi_reduction <add>, %convert_element_type3A, %reduce_sum3A [1] : vector<256x4096xi32> to vector<256xi32>
    %broadcast_in_dim3A_29 = vector.shape_cast %reduce_sum3A_28 : vector<256xi32> to vector<256x1xi32>
    %jit3A = arith.constant 0x7F800000 : f32
    %broadcast_in_dim3A_30 = vector.broadcast %jit3A : f32 to vector<256x4096xf32>
    %select_n3A = arith.select %eq3A_27, %broadcast_in_dim3A_30, %max3A_25 : vector<256x4096xi1>, vector<256x4096xf32>
    %sqrt3A = math.sqrt %broadcast_in_dim3A : vector<256x1xf32>
    %reduce_min3A_31 = arith.constant dense<0x7F800000> : vector<256xf32>
    %reduce_min3A_32 = vector.multi_reduction <minimumf>, %select_n3A, %reduce_min3A_31 [1] : vector<256x4096xf32> to vector<256xf32>
    %broadcast_in_dim3A_33 = vector.shape_cast %reduce_min3A_32 : vector<256xf32> to vector<256x1xf32>
    %eq3A_34 = vector.broadcast %broadcast_in_dim3A_33 : vector<256x1xf32> to vector<256x4096xf32>
    %eq3A_35 = arith.cmpf oeq, %select_n3A, %eq3A_34 : vector<256x4096xf32>
    %convert_element_type3A_36 = arith.extui %eq3A_35 : vector<256x4096xi1> to vector<256x4096xi32>
    %reduce_sum3A_37 = arith.constant dense<0> : vector<256xi32>
    %reduce_sum3A_38 = vector.multi_reduction <add>, %convert_element_type3A_36, %reduce_sum3A_37 [1] : vector<256x4096xi32> to vector<256xi32>
    %broadcast_in_dim3A_39 = vector.shape_cast %reduce_sum3A_38 : vector<256xi32> to vector<256x1xi32>
    %jit3A_40 = arith.constant 0x7F800000 : f32
    %broadcast_in_dim3A_41 = vector.broadcast %jit3A_40 : f32 to vector<256x4096xf32>
    %select_n3A_42 = arith.select %eq3A_35, %broadcast_in_dim3A_41, %select_n3A : vector<256x4096xi1>, vector<256x4096xf32>
    %sqrt3A_43 = math.sqrt %broadcast_in_dim3A_33 : vector<256x1xf32>
    %reduce_min3A_44 = arith.constant dense<0x7F800000> : vector<256xf32>
    %reduce_min3A_45 = vector.multi_reduction <minimumf>, %select_n3A_42, %reduce_min3A_44 [1] : vector<256x4096xf32> to vector<256xf32>
    %broadcast_in_dim3A_46 = vector.shape_cast %reduce_min3A_45 : vector<256xf32> to vector<256x1xf32>
    %eq3A_47 = vector.broadcast %broadcast_in_dim3A_46 : vector<256x1xf32> to vector<256x4096xf32>
    %eq3A_48 = arith.cmpf oeq, %select_n3A_42, %eq3A_47 : vector<256x4096xf32>
    %convert_element_type3A_49 = arith.extui %eq3A_48 : vector<256x4096xi1> to vector<256x4096xi32>
    %reduce_sum3A_50 = arith.constant dense<0> : vector<256xi32>
    %reduce_sum3A_51 = vector.multi_reduction <add>, %convert_element_type3A_49, %reduce_sum3A_50 [1] : vector<256x4096xi32> to vector<256xi32>
    %broadcast_in_dim3A_52 = vector.shape_cast %reduce_sum3A_51 : vector<256xi32> to vector<256x1xi32>
    %jit3A_53 = arith.constant 0x7F800000 : f32
    %broadcast_in_dim3A_54 = vector.broadcast %jit3A_53 : f32 to vector<256x4096xf32>
    %select_n3A_55 = arith.select %eq3A_48, %broadcast_in_dim3A_54, %select_n3A_42 : vector<256x4096xi1>, vector<256x4096xf32>
    %sqrt3A_56 = math.sqrt %broadcast_in_dim3A_46 : vector<256x1xf32>
    %reduce_min3A_57 = arith.constant dense<0x7F800000> : vector<256xf32>
    %reduce_min3A_58 = vector.multi_reduction <minimumf>, %select_n3A_55, %reduce_min3A_57 [1] : vector<256x4096xf32> to vector<256xf32>
    %broadcast_in_dim3A_59 = vector.shape_cast %reduce_min3A_58 : vector<256xf32> to vector<256x1xf32>
    %eq3A_60 = vector.broadcast %broadcast_in_dim3A_59 : vector<256x1xf32> to vector<256x4096xf32>
    %eq3A_61 = arith.cmpf oeq, %select_n3A_55, %eq3A_60 : vector<256x4096xf32>
    %convert_element_type3A_62 = arith.extui %eq3A_61 : vector<256x4096xi1> to vector<256x4096xi32>
    %reduce_sum3A_63 = arith.constant dense<0> : vector<256xi32>
    %reduce_sum3A_64 = vector.multi_reduction <add>, %convert_element_type3A_62, %reduce_sum3A_63 [1] : vector<256x4096xi32> to vector<256xi32>
    %broadcast_in_dim3A_65 = vector.shape_cast %reduce_sum3A_64 : vector<256xi32> to vector<256x1xi32>
    %jit3A_66 = arith.constant 0x7F800000 : f32
    %broadcast_in_dim3A_67 = vector.broadcast %jit3A_66 : f32 to vector<256x4096xf32>
    %select_n3A_68 = arith.select %eq3A_61, %broadcast_in_dim3A_67, %select_n3A_55 : vector<256x4096xi1>, vector<256x4096xf32>
    %sqrt3A_69 = math.sqrt %broadcast_in_dim3A_59 : vector<256x1xf32>
    %reduce_min3A_70 = arith.constant dense<0x7F800000> : vector<256xf32>
    %reduce_min3A_71 = vector.multi_reduction <minimumf>, %select_n3A_68, %reduce_min3A_70 [1] : vector<256x4096xf32> to vector<256xf32>
    %broadcast_in_dim3A_72 = vector.shape_cast %reduce_min3A_71 : vector<256xf32> to vector<256x1xf32>
    %eq3A_73 = vector.broadcast %broadcast_in_dim3A_72 : vector<256x1xf32> to vector<256x4096xf32>
    %eq3A_74 = arith.cmpf oeq, %select_n3A_68, %eq3A_73 : vector<256x4096xf32>
    %convert_element_type3A_75 = arith.extui %eq3A_74 : vector<256x4096xi1> to vector<256x4096xi32>
    %reduce_sum3A_76 = arith.constant dense<0> : vector<256xi32>
    %reduce_sum3A_77 = vector.multi_reduction <add>, %convert_element_type3A_75, %reduce_sum3A_76 [1] : vector<256x4096xi32> to vector<256xi32>
    %broadcast_in_dim3A_78 = vector.shape_cast %reduce_sum3A_77 : vector<256xi32> to vector<256x1xi32>
    %jit3A_79 = arith.constant 0x7F800000 : f32
    %broadcast_in_dim3A_80 = vector.broadcast %jit3A_79 : f32 to vector<256x4096xf32>
    %select_n3A_81 = arith.select %eq3A_74, %broadcast_in_dim3A_80, %select_n3A_68 : vector<256x4096xi1>, vector<256x4096xf32>
    %sqrt3A_82 = math.sqrt %broadcast_in_dim3A_72 : vector<256x1xf32>
    %reduce_min3A_83 = arith.constant dense<0x7F800000> : vector<256xf32>
    %reduce_min3A_84 = vector.multi_reduction <minimumf>, %select_n3A_81, %reduce_min3A_83 [1] : vector<256x4096xf32> to vector<256xf32>
    %broadcast_in_dim3A_85 = vector.shape_cast %reduce_min3A_84 : vector<256xf32> to vector<256x1xf32>
    %eq3A_86 = vector.broadcast %broadcast_in_dim3A_85 : vector<256x1xf32> to vector<256x4096xf32>
    %eq3A_87 = arith.cmpf oeq, %select_n3A_81, %eq3A_86 : vector<256x4096xf32>
    %convert_element_type3A_88 = arith.extui %eq3A_87 : vector<256x4096xi1> to vector<256x4096xi32>
    %reduce_sum3A_89 = arith.constant dense<0> : vector<256xi32>
    %reduce_sum3A_90 = vector.multi_reduction <add>, %convert_element_type3A_88, %reduce_sum3A_89 [1] : vector<256x4096xi32> to vector<256xi32>
    %broadcast_in_dim3A_91 = vector.shape_cast %reduce_sum3A_90 : vector<256xi32> to vector<256x1xi32>
    %jit3A_92 = arith.constant 0x7F800000 : f32
    %broadcast_in_dim3A_93 = vector.broadcast %jit3A_92 : f32 to vector<256x4096xf32>
    %select_n3A_94 = arith.select %eq3A_87, %broadcast_in_dim3A_93, %select_n3A_81 : vector<256x4096xi1>, vector<256x4096xf32>
    %sqrt3A_95 = math.sqrt %broadcast_in_dim3A_85 : vector<256x1xf32>
    %reduce_min3A_96 = arith.constant dense<0x7F800000> : vector<256xf32>
    %reduce_min3A_97 = vector.multi_reduction <minimumf>, %select_n3A_94, %reduce_min3A_96 [1] : vector<256x4096xf32> to vector<256xf32>
    %broadcast_in_dim3A_98 = vector.shape_cast %reduce_min3A_97 : vector<256xf32> to vector<256x1xf32>
    %eq3A_99 = vector.broadcast %broadcast_in_dim3A_98 : vector<256x1xf32> to vector<256x4096xf32>
    %eq3A_100 = arith.cmpf oeq, %select_n3A_94, %eq3A_99 : vector<256x4096xf32>
    %convert_element_type3A_101 = arith.extui %eq3A_100 : vector<256x4096xi1> to vector<256x4096xi32>
    %reduce_sum3A_102 = arith.constant dense<0> : vector<256xi32>
    %reduce_sum3A_103 = vector.multi_reduction <add>, %convert_element_type3A_101, %reduce_sum3A_102 [1] : vector<256x4096xi32> to vector<256xi32>
    %broadcast_in_dim3A_104 = vector.shape_cast %reduce_sum3A_103 : vector<256xi32> to vector<256x1xi32>
    %jit3A_105 = arith.constant 0x7F800000 : f32
    %broadcast_in_dim3A_106 = vector.broadcast %jit3A_105 : f32 to vector<256x4096xf32>
    %select_n3A_107 = arith.select %eq3A_100, %broadcast_in_dim3A_106, %select_n3A_94 : vector<256x4096xi1>, vector<256x4096xf32>
    %sqrt3A_108 = math.sqrt %broadcast_in_dim3A_98 : vector<256x1xf32>
    %reduce_min3A_109 = arith.constant dense<0x7F800000> : vector<256xf32>
    %reduce_min3A_110 = vector.multi_reduction <minimumf>, %select_n3A_107, %reduce_min3A_109 [1] : vector<256x4096xf32> to vector<256xf32>
    %broadcast_in_dim3A_111 = vector.shape_cast %reduce_min3A_110 : vector<256xf32> to vector<256x1xf32>
    %eq3A_112 = vector.broadcast %broadcast_in_dim3A_111 : vector<256x1xf32> to vector<256x4096xf32>
    %eq3A_113 = arith.cmpf oeq, %select_n3A_107, %eq3A_112 : vector<256x4096xf32>
    %convert_element_type3A_114 = arith.extui %eq3A_113 : vector<256x4096xi1> to vector<256x4096xi32>
    %reduce_sum3A_115 = arith.constant dense<0> : vector<256xi32>
    %reduce_sum3A_116 = vector.multi_reduction <add>, %convert_element_type3A_114, %reduce_sum3A_115 [1] : vector<256x4096xi32> to vector<256xi32>
    %broadcast_in_dim3A_117 = vector.shape_cast %reduce_sum3A_116 : vector<256xi32> to vector<256x1xi32>
    %sqrt3A_118 = math.sqrt %broadcast_in_dim3A_111 : vector<256x1xf32>
    %broadcast_in_dim3A_119 = arith.constant 0 : i32
    %broadcast_in_dim3A_120 = vector.broadcast %broadcast_in_dim3A_119 : i32 to vector<256x1xi32>
    %add3A_121 = arith.addi %broadcast_in_dim3A_120, %broadcast_in_dim3A_29 : vector<256x1xi32>
    %le3A = arith.constant 0 : i32
    %le3A_122 = vector.broadcast %le3A : i32 to vector<256x1xi32>
    %le3A_123 = arith.cmpi sle, %broadcast_in_dim3A_120, %le3A_122 : vector<256x1xi32>
    %gt3A = arith.constant 0 : i32
    %gt3A_124 = vector.broadcast %gt3A : i32 to vector<256x1xi32>
    %gt3A_125 = arith.cmpi sgt, %add3A_121, %gt3A_124 : vector<256x1xi32>
    %and3A = arith.andi %le3A_123, %gt3A_125 : vector<256x1xi1>
    %jit3A_126 = arith.constant 0.000000e+00 : f32
    %broadcast_in_dim3A_127 = vector.broadcast %jit3A_126 : f32 to vector<256x1xf32>
    %select_n3A_128 = arith.select %and3A, %sqrt3A, %broadcast_in_dim3A_127 : vector<256x1xi1>, vector<256x1xf32>
    %le3A_129 = arith.constant 1 : i32
    %le3A_130 = vector.broadcast %le3A_129 : i32 to vector<256x1xi32>
    %le3A_131 = arith.cmpi sle, %broadcast_in_dim3A_120, %le3A_130 : vector<256x1xi32>
    %gt3A_132 = arith.constant 1 : i32
    %gt3A_133 = vector.broadcast %gt3A_132 : i32 to vector<256x1xi32>
    %gt3A_134 = arith.cmpi sgt, %add3A_121, %gt3A_133 : vector<256x1xi32>
    %and3A_135 = arith.andi %le3A_131, %gt3A_134 : vector<256x1xi1>
    %jit3A_136 = arith.constant 0.000000e+00 : f32
    %broadcast_in_dim3A_137 = vector.broadcast %jit3A_136 : f32 to vector<256x1xf32>
    %select_n3A_138 = arith.select %and3A_135, %sqrt3A, %broadcast_in_dim3A_137 : vector<256x1xi1>, vector<256x1xf32>
    %le3A_139 = arith.constant 2 : i32
    %le3A_140 = vector.broadcast %le3A_139 : i32 to vector<256x1xi32>
    %le3A_141 = arith.cmpi sle, %broadcast_in_dim3A_120, %le3A_140 : vector<256x1xi32>
    %gt3A_142 = arith.constant 2 : i32
    %gt3A_143 = vector.broadcast %gt3A_142 : i32 to vector<256x1xi32>
    %gt3A_144 = arith.cmpi sgt, %add3A_121, %gt3A_143 : vector<256x1xi32>
    %and3A_145 = arith.andi %le3A_141, %gt3A_144 : vector<256x1xi1>
    %jit3A_146 = arith.constant 0.000000e+00 : f32
    %broadcast_in_dim3A_147 = vector.broadcast %jit3A_146 : f32 to vector<256x1xf32>
    %select_n3A_148 = arith.select %and3A_145, %sqrt3A, %broadcast_in_dim3A_147 : vector<256x1xi1>, vector<256x1xf32>
    %le3A_149 = arith.constant 3 : i32
    %le3A_150 = vector.broadcast %le3A_149 : i32 to vector<256x1xi32>
    %le3A_151 = arith.cmpi sle, %broadcast_in_dim3A_120, %le3A_150 : vector<256x1xi32>
    %gt3A_152 = arith.constant 3 : i32
    %gt3A_153 = vector.broadcast %gt3A_152 : i32 to vector<256x1xi32>
    %gt3A_154 = arith.cmpi sgt, %add3A_121, %gt3A_153 : vector<256x1xi32>
    %and3A_155 = arith.andi %le3A_151, %gt3A_154 : vector<256x1xi1>
    %jit3A_156 = arith.constant 0.000000e+00 : f32
    %broadcast_in_dim3A_157 = vector.broadcast %jit3A_156 : f32 to vector<256x1xf32>
    %select_n3A_158 = arith.select %and3A_155, %sqrt3A, %broadcast_in_dim3A_157 : vector<256x1xi1>, vector<256x1xf32>
    %le3A_159 = arith.constant 4 : i32
    %le3A_160 = vector.broadcast %le3A_159 : i32 to vector<256x1xi32>
    %le3A_161 = arith.cmpi sle, %broadcast_in_dim3A_120, %le3A_160 : vector<256x1xi32>
    %gt3A_162 = arith.constant 4 : i32
    %gt3A_163 = vector.broadcast %gt3A_162 : i32 to vector<256x1xi32>
    %gt3A_164 = arith.cmpi sgt, %add3A_121, %gt3A_163 : vector<256x1xi32>
    %and3A_165 = arith.andi %le3A_161, %gt3A_164 : vector<256x1xi1>
    %jit3A_166 = arith.constant 0.000000e+00 : f32
    %broadcast_in_dim3A_167 = vector.broadcast %jit3A_166 : f32 to vector<256x1xf32>
    %select_n3A_168 = arith.select %and3A_165, %sqrt3A, %broadcast_in_dim3A_167 : vector<256x1xi1>, vector<256x1xf32>
    %le3A_169 = arith.constant 5 : i32
    %le3A_170 = vector.broadcast %le3A_169 : i32 to vector<256x1xi32>
    %le3A_171 = arith.cmpi sle, %broadcast_in_dim3A_120, %le3A_170 : vector<256x1xi32>
    %gt3A_172 = arith.constant 5 : i32
    %gt3A_173 = vector.broadcast %gt3A_172 : i32 to vector<256x1xi32>
    %gt3A_174 = arith.cmpi sgt, %add3A_121, %gt3A_173 : vector<256x1xi32>
    %and3A_175 = arith.andi %le3A_171, %gt3A_174 : vector<256x1xi1>
    %jit3A_176 = arith.constant 0.000000e+00 : f32
    %broadcast_in_dim3A_177 = vector.broadcast %jit3A_176 : f32 to vector<256x1xf32>
    %select_n3A_178 = arith.select %and3A_175, %sqrt3A, %broadcast_in_dim3A_177 : vector<256x1xi1>, vector<256x1xf32>
    %le3A_179 = arith.constant 6 : i32
    %le3A_180 = vector.broadcast %le3A_179 : i32 to vector<256x1xi32>
    %le3A_181 = arith.cmpi sle, %broadcast_in_dim3A_120, %le3A_180 : vector<256x1xi32>
    %gt3A_182 = arith.constant 6 : i32
    %gt3A_183 = vector.broadcast %gt3A_182 : i32 to vector<256x1xi32>
    %gt3A_184 = arith.cmpi sgt, %add3A_121, %gt3A_183 : vector<256x1xi32>
    %and3A_185 = arith.andi %le3A_181, %gt3A_184 : vector<256x1xi1>
    %jit3A_186 = arith.constant 0.000000e+00 : f32
    %broadcast_in_dim3A_187 = vector.broadcast %jit3A_186 : f32 to vector<256x1xf32>
    %select_n3A_188 = arith.select %and3A_185, %sqrt3A, %broadcast_in_dim3A_187 : vector<256x1xi1>, vector<256x1xf32>
    %le3A_189 = arith.constant 7 : i32
    %le3A_190 = vector.broadcast %le3A_189 : i32 to vector<256x1xi32>
    %le3A_191 = arith.cmpi sle, %broadcast_in_dim3A_120, %le3A_190 : vector<256x1xi32>
    %gt3A_192 = arith.constant 7 : i32
    %gt3A_193 = vector.broadcast %gt3A_192 : i32 to vector<256x1xi32>
    %gt3A_194 = arith.cmpi sgt, %add3A_121, %gt3A_193 : vector<256x1xi32>
    %and3A_195 = arith.andi %le3A_191, %gt3A_194 : vector<256x1xi1>
    %jit3A_196 = arith.constant 0.000000e+00 : f32
    %broadcast_in_dim3A_197 = vector.broadcast %jit3A_196 : f32 to vector<256x1xf32>
    %select_n3A_198 = arith.select %and3A_195, %sqrt3A, %broadcast_in_dim3A_197 : vector<256x1xi1>, vector<256x1xf32>
    %add3A_199 = arith.addi %add3A_121, %broadcast_in_dim3A_39 : vector<256x1xi32>
    %le3A_200 = arith.constant 0 : i32
    %le3A_201 = vector.broadcast %le3A_200 : i32 to vector<256x1xi32>
    %le3A_202 = arith.cmpi sle, %add3A_121, %le3A_201 : vector<256x1xi32>
    %gt3A_203 = arith.constant 0 : i32
    %gt3A_204 = vector.broadcast %gt3A_203 : i32 to vector<256x1xi32>
    %gt3A_205 = arith.cmpi sgt, %add3A_199, %gt3A_204 : vector<256x1xi32>
    %and3A_206 = arith.andi %le3A_202, %gt3A_205 : vector<256x1xi1>
    %jit3A_207 = arith.constant 0.000000e+00 : f32
    %broadcast_in_dim3A_208 = vector.broadcast %jit3A_207 : f32 to vector<256x1xf32>
    %select_n3A_209 = arith.select %and3A_206, %sqrt3A_43, %broadcast_in_dim3A_208 : vector<256x1xi1>, vector<256x1xf32>
    %add3A_210 = arith.addf %select_n3A_128, %select_n3A_209 : vector<256x1xf32>
    %le3A_211 = arith.constant 1 : i32
    %le3A_212 = vector.broadcast %le3A_211 : i32 to vector<256x1xi32>
    %le3A_213 = arith.cmpi sle, %add3A_121, %le3A_212 : vector<256x1xi32>
    %gt3A_214 = arith.constant 1 : i32
    %gt3A_215 = vector.broadcast %gt3A_214 : i32 to vector<256x1xi32>
    %gt3A_216 = arith.cmpi sgt, %add3A_199, %gt3A_215 : vector<256x1xi32>
    %and3A_217 = arith.andi %le3A_213, %gt3A_216 : vector<256x1xi1>
    %jit3A_218 = arith.constant 0.000000e+00 : f32
    %broadcast_in_dim3A_219 = vector.broadcast %jit3A_218 : f32 to vector<256x1xf32>
    %select_n3A_220 = arith.select %and3A_217, %sqrt3A_43, %broadcast_in_dim3A_219 : vector<256x1xi1>, vector<256x1xf32>
    %add3A_221 = arith.addf %select_n3A_138, %select_n3A_220 : vector<256x1xf32>
    %le3A_222 = arith.constant 2 : i32
    %le3A_223 = vector.broadcast %le3A_222 : i32 to vector<256x1xi32>
    %le3A_224 = arith.cmpi sle, %add3A_121, %le3A_223 : vector<256x1xi32>
    %gt3A_225 = arith.constant 2 : i32
    %gt3A_226 = vector.broadcast %gt3A_225 : i32 to vector<256x1xi32>
    %gt3A_227 = arith.cmpi sgt, %add3A_199, %gt3A_226 : vector<256x1xi32>
    %and3A_228 = arith.andi %le3A_224, %gt3A_227 : vector<256x1xi1>
    %jit3A_229 = arith.constant 0.000000e+00 : f32
    %broadcast_in_dim3A_230 = vector.broadcast %jit3A_229 : f32 to vector<256x1xf32>
    %select_n3A_231 = arith.select %and3A_228, %sqrt3A_43, %broadcast_in_dim3A_230 : vector<256x1xi1>, vector<256x1xf32>
    %add3A_232 = arith.addf %select_n3A_148, %select_n3A_231 : vector<256x1xf32>
    %le3A_233 = arith.constant 3 : i32
    %le3A_234 = vector.broadcast %le3A_233 : i32 to vector<256x1xi32>
    %le3A_235 = arith.cmpi sle, %add3A_121, %le3A_234 : vector<256x1xi32>
    %gt3A_236 = arith.constant 3 : i32
    %gt3A_237 = vector.broadcast %gt3A_236 : i32 to vector<256x1xi32>
    %gt3A_238 = arith.cmpi sgt, %add3A_199, %gt3A_237 : vector<256x1xi32>
    %and3A_239 = arith.andi %le3A_235, %gt3A_238 : vector<256x1xi1>
    %jit3A_240 = arith.constant 0.000000e+00 : f32
    %broadcast_in_dim3A_241 = vector.broadcast %jit3A_240 : f32 to vector<256x1xf32>
    %select_n3A_242 = arith.select %and3A_239, %sqrt3A_43, %broadcast_in_dim3A_241 : vector<256x1xi1>, vector<256x1xf32>
    %add3A_243 = arith.addf %select_n3A_158, %select_n3A_242 : vector<256x1xf32>
    %le3A_244 = arith.constant 4 : i32
    %le3A_245 = vector.broadcast %le3A_244 : i32 to vector<256x1xi32>
    %le3A_246 = arith.cmpi sle, %add3A_121, %le3A_245 : vector<256x1xi32>
    %gt3A_247 = arith.constant 4 : i32
    %gt3A_248 = vector.broadcast %gt3A_247 : i32 to vector<256x1xi32>
    %gt3A_249 = arith.cmpi sgt, %add3A_199, %gt3A_248 : vector<256x1xi32>
    %and3A_250 = arith.andi %le3A_246, %gt3A_249 : vector<256x1xi1>
    %jit3A_251 = arith.constant 0.000000e+00 : f32
    %broadcast_in_dim3A_252 = vector.broadcast %jit3A_251 : f32 to vector<256x1xf32>
    %select_n3A_253 = arith.select %and3A_250, %sqrt3A_43, %broadcast_in_dim3A_252 : vector<256x1xi1>, vector<256x1xf32>
    %add3A_254 = arith.addf %select_n3A_168, %select_n3A_253 : vector<256x1xf32>
    %le3A_255 = arith.constant 5 : i32
    %le3A_256 = vector.broadcast %le3A_255 : i32 to vector<256x1xi32>
    %le3A_257 = arith.cmpi sle, %add3A_121, %le3A_256 : vector<256x1xi32>
    %gt3A_258 = arith.constant 5 : i32
    %gt3A_259 = vector.broadcast %gt3A_258 : i32 to vector<256x1xi32>
    %gt3A_260 = arith.cmpi sgt, %add3A_199, %gt3A_259 : vector<256x1xi32>
    %and3A_261 = arith.andi %le3A_257, %gt3A_260 : vector<256x1xi1>
    %jit3A_262 = arith.constant 0.000000e+00 : f32
    %broadcast_in_dim3A_263 = vector.broadcast %jit3A_262 : f32 to vector<256x1xf32>
    %select_n3A_264 = arith.select %and3A_261, %sqrt3A_43, %broadcast_in_dim3A_263 : vector<256x1xi1>, vector<256x1xf32>
    %add3A_265 = arith.addf %select_n3A_178, %select_n3A_264 : vector<256x1xf32>
    %le3A_266 = arith.constant 6 : i32
    %le3A_267 = vector.broadcast %le3A_266 : i32 to vector<256x1xi32>
    %le3A_268 = arith.cmpi sle, %add3A_121, %le3A_267 : vector<256x1xi32>
    %gt3A_269 = arith.constant 6 : i32
    %gt3A_270 = vector.broadcast %gt3A_269 : i32 to vector<256x1xi32>
    %gt3A_271 = arith.cmpi sgt, %add3A_199, %gt3A_270 : vector<256x1xi32>
    %and3A_272 = arith.andi %le3A_268, %gt3A_271 : vector<256x1xi1>
    %jit3A_273 = arith.constant 0.000000e+00 : f32
    %broadcast_in_dim3A_274 = vector.broadcast %jit3A_273 : f32 to vector<256x1xf32>
    %select_n3A_275 = arith.select %and3A_272, %sqrt3A_43, %broadcast_in_dim3A_274 : vector<256x1xi1>, vector<256x1xf32>
    %add3A_276 = arith.addf %select_n3A_188, %select_n3A_275 : vector<256x1xf32>
    %le3A_277 = arith.constant 7 : i32
    %le3A_278 = vector.broadcast %le3A_277 : i32 to vector<256x1xi32>
    %le3A_279 = arith.cmpi sle, %add3A_121, %le3A_278 : vector<256x1xi32>
    %gt3A_280 = arith.constant 7 : i32
    %gt3A_281 = vector.broadcast %gt3A_280 : i32 to vector<256x1xi32>
    %gt3A_282 = arith.cmpi sgt, %add3A_199, %gt3A_281 : vector<256x1xi32>
    %and3A_283 = arith.andi %le3A_279, %gt3A_282 : vector<256x1xi1>
    %jit3A_284 = arith.constant 0.000000e+00 : f32
    %broadcast_in_dim3A_285 = vector.broadcast %jit3A_284 : f32 to vector<256x1xf32>
    %select_n3A_286 = arith.select %and3A_283, %sqrt3A_43, %broadcast_in_dim3A_285 : vector<256x1xi1>, vector<256x1xf32>
    %add3A_287 = arith.addf %select_n3A_198, %select_n3A_286 : vector<256x1xf32>
    %add3A_288 = arith.addi %add3A_199, %broadcast_in_dim3A_52 : vector<256x1xi32>
    %le3A_289 = arith.constant 0 : i32
    %le3A_290 = vector.broadcast %le3A_289 : i32 to vector<256x1xi32>
    %le3A_291 = arith.cmpi sle, %add3A_199, %le3A_290 : vector<256x1xi32>
    %gt3A_292 = arith.constant 0 : i32
    %gt3A_293 = vector.broadcast %gt3A_292 : i32 to vector<256x1xi32>
    %gt3A_294 = arith.cmpi sgt, %add3A_288, %gt3A_293 : vector<256x1xi32>
    %and3A_295 = arith.andi %le3A_291, %gt3A_294 : vector<256x1xi1>
    %jit3A_296 = arith.constant 0.000000e+00 : f32
    %broadcast_in_dim3A_297 = vector.broadcast %jit3A_296 : f32 to vector<256x1xf32>
    %select_n3A_298 = arith.select %and3A_295, %sqrt3A_56, %broadcast_in_dim3A_297 : vector<256x1xi1>, vector<256x1xf32>
    %add3A_299 = arith.addf %add3A_210, %select_n3A_298 : vector<256x1xf32>
    %le3A_300 = arith.constant 1 : i32
    %le3A_301 = vector.broadcast %le3A_300 : i32 to vector<256x1xi32>
    %le3A_302 = arith.cmpi sle, %add3A_199, %le3A_301 : vector<256x1xi32>
    %gt3A_303 = arith.constant 1 : i32
    %gt3A_304 = vector.broadcast %gt3A_303 : i32 to vector<256x1xi32>
    %gt3A_305 = arith.cmpi sgt, %add3A_288, %gt3A_304 : vector<256x1xi32>
    %and3A_306 = arith.andi %le3A_302, %gt3A_305 : vector<256x1xi1>
    %jit3A_307 = arith.constant 0.000000e+00 : f32
    %broadcast_in_dim3A_308 = vector.broadcast %jit3A_307 : f32 to vector<256x1xf32>
    %select_n3A_309 = arith.select %and3A_306, %sqrt3A_56, %broadcast_in_dim3A_308 : vector<256x1xi1>, vector<256x1xf32>
    %add3A_310 = arith.addf %add3A_221, %select_n3A_309 : vector<256x1xf32>
    %le3A_311 = arith.constant 2 : i32
    %le3A_312 = vector.broadcast %le3A_311 : i32 to vector<256x1xi32>
    %le3A_313 = arith.cmpi sle, %add3A_199, %le3A_312 : vector<256x1xi32>
    %gt3A_314 = arith.constant 2 : i32
    %gt3A_315 = vector.broadcast %gt3A_314 : i32 to vector<256x1xi32>
    %gt3A_316 = arith.cmpi sgt, %add3A_288, %gt3A_315 : vector<256x1xi32>
    %and3A_317 = arith.andi %le3A_313, %gt3A_316 : vector<256x1xi1>
    %jit3A_318 = arith.constant 0.000000e+00 : f32
    %broadcast_in_dim3A_319 = vector.broadcast %jit3A_318 : f32 to vector<256x1xf32>
    %select_n3A_320 = arith.select %and3A_317, %sqrt3A_56, %broadcast_in_dim3A_319 : vector<256x1xi1>, vector<256x1xf32>
    %add3A_321 = arith.addf %add3A_232, %select_n3A_320 : vector<256x1xf32>
    %le3A_322 = arith.constant 3 : i32
    %le3A_323 = vector.broadcast %le3A_322 : i32 to vector<256x1xi32>
    %le3A_324 = arith.cmpi sle, %add3A_199, %le3A_323 : vector<256x1xi32>
    %gt3A_325 = arith.constant 3 : i32
    %gt3A_326 = vector.broadcast %gt3A_325 : i32 to vector<256x1xi32>
    %gt3A_327 = arith.cmpi sgt, %add3A_288, %gt3A_326 : vector<256x1xi32>
    %and3A_328 = arith.andi %le3A_324, %gt3A_327 : vector<256x1xi1>
    %jit3A_329 = arith.constant 0.000000e+00 : f32
    %broadcast_in_dim3A_330 = vector.broadcast %jit3A_329 : f32 to vector<256x1xf32>
    %select_n3A_331 = arith.select %and3A_328, %sqrt3A_56, %broadcast_in_dim3A_330 : vector<256x1xi1>, vector<256x1xf32>
    %add3A_332 = arith.addf %add3A_243, %select_n3A_331 : vector<256x1xf32>
    %le3A_333 = arith.constant 4 : i32
    %le3A_334 = vector.broadcast %le3A_333 : i32 to vector<256x1xi32>
    %le3A_335 = arith.cmpi sle, %add3A_199, %le3A_334 : vector<256x1xi32>
    %gt3A_336 = arith.constant 4 : i32
    %gt3A_337 = vector.broadcast %gt3A_336 : i32 to vector<256x1xi32>
    %gt3A_338 = arith.cmpi sgt, %add3A_288, %gt3A_337 : vector<256x1xi32>
    %and3A_339 = arith.andi %le3A_335, %gt3A_338 : vector<256x1xi1>
    %jit3A_340 = arith.constant 0.000000e+00 : f32
    %broadcast_in_dim3A_341 = vector.broadcast %jit3A_340 : f32 to vector<256x1xf32>
    %select_n3A_342 = arith.select %and3A_339, %sqrt3A_56, %broadcast_in_dim3A_341 : vector<256x1xi1>, vector<256x1xf32>
    %add3A_343 = arith.addf %add3A_254, %select_n3A_342 : vector<256x1xf32>
    %le3A_344 = arith.constant 5 : i32
    %le3A_345 = vector.broadcast %le3A_344 : i32 to vector<256x1xi32>
    %le3A_346 = arith.cmpi sle, %add3A_199, %le3A_345 : vector<256x1xi32>
    %gt3A_347 = arith.constant 5 : i32
    %gt3A_348 = vector.broadcast %gt3A_347 : i32 to vector<256x1xi32>
    %gt3A_349 = arith.cmpi sgt, %add3A_288, %gt3A_348 : vector<256x1xi32>
    %and3A_350 = arith.andi %le3A_346, %gt3A_349 : vector<256x1xi1>
    %jit3A_351 = arith.constant 0.000000e+00 : f32
    %broadcast_in_dim3A_352 = vector.broadcast %jit3A_351 : f32 to vector<256x1xf32>
    %select_n3A_353 = arith.select %and3A_350, %sqrt3A_56, %broadcast_in_dim3A_352 : vector<256x1xi1>, vector<256x1xf32>
    %add3A_354 = arith.addf %add3A_265, %select_n3A_353 : vector<256x1xf32>
    %le3A_355 = arith.constant 6 : i32
    %le3A_356 = vector.broadcast %le3A_355 : i32 to vector<256x1xi32>
    %le3A_357 = arith.cmpi sle, %add3A_199, %le3A_356 : vector<256x1xi32>
    %gt3A_358 = arith.constant 6 : i32
    %gt3A_359 = vector.broadcast %gt3A_358 : i32 to vector<256x1xi32>
    %gt3A_360 = arith.cmpi sgt, %add3A_288, %gt3A_359 : vector<256x1xi32>
    %and3A_361 = arith.andi %le3A_357, %gt3A_360 : vector<256x1xi1>
    %jit3A_362 = arith.constant 0.000000e+00 : f32
    %broadcast_in_dim3A_363 = vector.broadcast %jit3A_362 : f32 to vector<256x1xf32>
    %select_n3A_364 = arith.select %and3A_361, %sqrt3A_56, %broadcast_in_dim3A_363 : vector<256x1xi1>, vector<256x1xf32>
    %add3A_365 = arith.addf %add3A_276, %select_n3A_364 : vector<256x1xf32>
    %le3A_366 = arith.constant 7 : i32
    %le3A_367 = vector.broadcast %le3A_366 : i32 to vector<256x1xi32>
    %le3A_368 = arith.cmpi sle, %add3A_199, %le3A_367 : vector<256x1xi32>
    %gt3A_369 = arith.constant 7 : i32
    %gt3A_370 = vector.broadcast %gt3A_369 : i32 to vector<256x1xi32>
    %gt3A_371 = arith.cmpi sgt, %add3A_288, %gt3A_370 : vector<256x1xi32>
    %and3A_372 = arith.andi %le3A_368, %gt3A_371 : vector<256x1xi1>
    %jit3A_373 = arith.constant 0.000000e+00 : f32
    %broadcast_in_dim3A_374 = vector.broadcast %jit3A_373 : f32 to vector<256x1xf32>
    %select_n3A_375 = arith.select %and3A_372, %sqrt3A_56, %broadcast_in_dim3A_374 : vector<256x1xi1>, vector<256x1xf32>
    %add3A_376 = arith.addf %add3A_287, %select_n3A_375 : vector<256x1xf32>
    %add3A_377 = arith.addi %add3A_288, %broadcast_in_dim3A_65 : vector<256x1xi32>
    %le3A_378 = arith.constant 0 : i32
    %le3A_379 = vector.broadcast %le3A_378 : i32 to vector<256x1xi32>
    %le3A_380 = arith.cmpi sle, %add3A_288, %le3A_379 : vector<256x1xi32>
    %gt3A_381 = arith.constant 0 : i32
    %gt3A_382 = vector.broadcast %gt3A_381 : i32 to vector<256x1xi32>
    %gt3A_383 = arith.cmpi sgt, %add3A_377, %gt3A_382 : vector<256x1xi32>
    %and3A_384 = arith.andi %le3A_380, %gt3A_383 : vector<256x1xi1>
    %jit3A_385 = arith.constant 0.000000e+00 : f32
    %broadcast_in_dim3A_386 = vector.broadcast %jit3A_385 : f32 to vector<256x1xf32>
    %select_n3A_387 = arith.select %and3A_384, %sqrt3A_69, %broadcast_in_dim3A_386 : vector<256x1xi1>, vector<256x1xf32>
    %add3A_388 = arith.addf %add3A_299, %select_n3A_387 : vector<256x1xf32>
    %le3A_389 = arith.constant 1 : i32
    %le3A_390 = vector.broadcast %le3A_389 : i32 to vector<256x1xi32>
    %le3A_391 = arith.cmpi sle, %add3A_288, %le3A_390 : vector<256x1xi32>
    %gt3A_392 = arith.constant 1 : i32
    %gt3A_393 = vector.broadcast %gt3A_392 : i32 to vector<256x1xi32>
    %gt3A_394 = arith.cmpi sgt, %add3A_377, %gt3A_393 : vector<256x1xi32>
    %and3A_395 = arith.andi %le3A_391, %gt3A_394 : vector<256x1xi1>
    %jit3A_396 = arith.constant 0.000000e+00 : f32
    %broadcast_in_dim3A_397 = vector.broadcast %jit3A_396 : f32 to vector<256x1xf32>
    %select_n3A_398 = arith.select %and3A_395, %sqrt3A_69, %broadcast_in_dim3A_397 : vector<256x1xi1>, vector<256x1xf32>
    %add3A_399 = arith.addf %add3A_310, %select_n3A_398 : vector<256x1xf32>
    %le3A_400 = arith.constant 2 : i32
    %le3A_401 = vector.broadcast %le3A_400 : i32 to vector<256x1xi32>
    %le3A_402 = arith.cmpi sle, %add3A_288, %le3A_401 : vector<256x1xi32>
    %gt3A_403 = arith.constant 2 : i32
    %gt3A_404 = vector.broadcast %gt3A_403 : i32 to vector<256x1xi32>
    %gt3A_405 = arith.cmpi sgt, %add3A_377, %gt3A_404 : vector<256x1xi32>
    %and3A_406 = arith.andi %le3A_402, %gt3A_405 : vector<256x1xi1>
    %jit3A_407 = arith.constant 0.000000e+00 : f32
    %broadcast_in_dim3A_408 = vector.broadcast %jit3A_407 : f32 to vector<256x1xf32>
    %select_n3A_409 = arith.select %and3A_406, %sqrt3A_69, %broadcast_in_dim3A_408 : vector<256x1xi1>, vector<256x1xf32>
    %add3A_410 = arith.addf %add3A_321, %select_n3A_409 : vector<256x1xf32>
    %le3A_411 = arith.constant 3 : i32
    %le3A_412 = vector.broadcast %le3A_411 : i32 to vector<256x1xi32>
    %le3A_413 = arith.cmpi sle, %add3A_288, %le3A_412 : vector<256x1xi32>
    %gt3A_414 = arith.constant 3 : i32
    %gt3A_415 = vector.broadcast %gt3A_414 : i32 to vector<256x1xi32>
    %gt3A_416 = arith.cmpi sgt, %add3A_377, %gt3A_415 : vector<256x1xi32>
    %and3A_417 = arith.andi %le3A_413, %gt3A_416 : vector<256x1xi1>
    %jit3A_418 = arith.constant 0.000000e+00 : f32
    %broadcast_in_dim3A_419 = vector.broadcast %jit3A_418 : f32 to vector<256x1xf32>
    %select_n3A_420 = arith.select %and3A_417, %sqrt3A_69, %broadcast_in_dim3A_419 : vector<256x1xi1>, vector<256x1xf32>
    %add3A_421 = arith.addf %add3A_332, %select_n3A_420 : vector<256x1xf32>
    %le3A_422 = arith.constant 4 : i32
    %le3A_423 = vector.broadcast %le3A_422 : i32 to vector<256x1xi32>
    %le3A_424 = arith.cmpi sle, %add3A_288, %le3A_423 : vector<256x1xi32>
    %gt3A_425 = arith.constant 4 : i32
    %gt3A_426 = vector.broadcast %gt3A_425 : i32 to vector<256x1xi32>
    %gt3A_427 = arith.cmpi sgt, %add3A_377, %gt3A_426 : vector<256x1xi32>
    %and3A_428 = arith.andi %le3A_424, %gt3A_427 : vector<256x1xi1>
    %jit3A_429 = arith.constant 0.000000e+00 : f32
    %broadcast_in_dim3A_430 = vector.broadcast %jit3A_429 : f32 to vector<256x1xf32>
    %select_n3A_431 = arith.select %and3A_428, %sqrt3A_69, %broadcast_in_dim3A_430 : vector<256x1xi1>, vector<256x1xf32>
    %add3A_432 = arith.addf %add3A_343, %select_n3A_431 : vector<256x1xf32>
    %le3A_433 = arith.constant 5 : i32
    %le3A_434 = vector.broadcast %le3A_433 : i32 to vector<256x1xi32>
    %le3A_435 = arith.cmpi sle, %add3A_288, %le3A_434 : vector<256x1xi32>
    %gt3A_436 = arith.constant 5 : i32
    %gt3A_437 = vector.broadcast %gt3A_436 : i32 to vector<256x1xi32>
    %gt3A_438 = arith.cmpi sgt, %add3A_377, %gt3A_437 : vector<256x1xi32>
    %and3A_439 = arith.andi %le3A_435, %gt3A_438 : vector<256x1xi1>
    %jit3A_440 = arith.constant 0.000000e+00 : f32
    %broadcast_in_dim3A_441 = vector.broadcast %jit3A_440 : f32 to vector<256x1xf32>
    %select_n3A_442 = arith.select %and3A_439, %sqrt3A_69, %broadcast_in_dim3A_441 : vector<256x1xi1>, vector<256x1xf32>
    %add3A_443 = arith.addf %add3A_354, %select_n3A_442 : vector<256x1xf32>
    %le3A_444 = arith.constant 6 : i32
    %le3A_445 = vector.broadcast %le3A_444 : i32 to vector<256x1xi32>
    %le3A_446 = arith.cmpi sle, %add3A_288, %le3A_445 : vector<256x1xi32>
    %gt3A_447 = arith.constant 6 : i32
    %gt3A_448 = vector.broadcast %gt3A_447 : i32 to vector<256x1xi32>
    %gt3A_449 = arith.cmpi sgt, %add3A_377, %gt3A_448 : vector<256x1xi32>
    %and3A_450 = arith.andi %le3A_446, %gt3A_449 : vector<256x1xi1>
    %jit3A_451 = arith.constant 0.000000e+00 : f32
    %broadcast_in_dim3A_452 = vector.broadcast %jit3A_451 : f32 to vector<256x1xf32>
    %select_n3A_453 = arith.select %and3A_450, %sqrt3A_69, %broadcast_in_dim3A_452 : vector<256x1xi1>, vector<256x1xf32>
    %add3A_454 = arith.addf %add3A_365, %select_n3A_453 : vector<256x1xf32>
    %le3A_455 = arith.constant 7 : i32
    %le3A_456 = vector.broadcast %le3A_455 : i32 to vector<256x1xi32>
    %le3A_457 = arith.cmpi sle, %add3A_288, %le3A_456 : vector<256x1xi32>
    %gt3A_458 = arith.constant 7 : i32
    %gt3A_459 = vector.broadcast %gt3A_458 : i32 to vector<256x1xi32>
    %gt3A_460 = arith.cmpi sgt, %add3A_377, %gt3A_459 : vector<256x1xi32>
    %and3A_461 = arith.andi %le3A_457, %gt3A_460 : vector<256x1xi1>
    %jit3A_462 = arith.constant 0.000000e+00 : f32
    %broadcast_in_dim3A_463 = vector.broadcast %jit3A_462 : f32 to vector<256x1xf32>
    %select_n3A_464 = arith.select %and3A_461, %sqrt3A_69, %broadcast_in_dim3A_463 : vector<256x1xi1>, vector<256x1xf32>
    %add3A_465 = arith.addf %add3A_376, %select_n3A_464 : vector<256x1xf32>
    %add3A_466 = arith.addi %add3A_377, %broadcast_in_dim3A_78 : vector<256x1xi32>
    %le3A_467 = arith.constant 0 : i32
    %le3A_468 = vector.broadcast %le3A_467 : i32 to vector<256x1xi32>
    %le3A_469 = arith.cmpi sle, %add3A_377, %le3A_468 : vector<256x1xi32>
    %gt3A_470 = arith.constant 0 : i32
    %gt3A_471 = vector.broadcast %gt3A_470 : i32 to vector<256x1xi32>
    %gt3A_472 = arith.cmpi sgt, %add3A_466, %gt3A_471 : vector<256x1xi32>
    %and3A_473 = arith.andi %le3A_469, %gt3A_472 : vector<256x1xi1>
    %jit3A_474 = arith.constant 0.000000e+00 : f32
    %broadcast_in_dim3A_475 = vector.broadcast %jit3A_474 : f32 to vector<256x1xf32>
    %select_n3A_476 = arith.select %and3A_473, %sqrt3A_82, %broadcast_in_dim3A_475 : vector<256x1xi1>, vector<256x1xf32>
    %add3A_477 = arith.addf %add3A_388, %select_n3A_476 : vector<256x1xf32>
    %le3A_478 = arith.constant 1 : i32
    %le3A_479 = vector.broadcast %le3A_478 : i32 to vector<256x1xi32>
    %le3A_480 = arith.cmpi sle, %add3A_377, %le3A_479 : vector<256x1xi32>
    %gt3A_481 = arith.constant 1 : i32
    %gt3A_482 = vector.broadcast %gt3A_481 : i32 to vector<256x1xi32>
    %gt3A_483 = arith.cmpi sgt, %add3A_466, %gt3A_482 : vector<256x1xi32>
    %and3A_484 = arith.andi %le3A_480, %gt3A_483 : vector<256x1xi1>
    %jit3A_485 = arith.constant 0.000000e+00 : f32
    %broadcast_in_dim3A_486 = vector.broadcast %jit3A_485 : f32 to vector<256x1xf32>
    %select_n3A_487 = arith.select %and3A_484, %sqrt3A_82, %broadcast_in_dim3A_486 : vector<256x1xi1>, vector<256x1xf32>
    %add3A_488 = arith.addf %add3A_399, %select_n3A_487 : vector<256x1xf32>
    %le3A_489 = arith.constant 2 : i32
    %le3A_490 = vector.broadcast %le3A_489 : i32 to vector<256x1xi32>
    %le3A_491 = arith.cmpi sle, %add3A_377, %le3A_490 : vector<256x1xi32>
    %gt3A_492 = arith.constant 2 : i32
    %gt3A_493 = vector.broadcast %gt3A_492 : i32 to vector<256x1xi32>
    %gt3A_494 = arith.cmpi sgt, %add3A_466, %gt3A_493 : vector<256x1xi32>
    %and3A_495 = arith.andi %le3A_491, %gt3A_494 : vector<256x1xi1>
    %jit3A_496 = arith.constant 0.000000e+00 : f32
    %broadcast_in_dim3A_497 = vector.broadcast %jit3A_496 : f32 to vector<256x1xf32>
    %select_n3A_498 = arith.select %and3A_495, %sqrt3A_82, %broadcast_in_dim3A_497 : vector<256x1xi1>, vector<256x1xf32>
    %add3A_499 = arith.addf %add3A_410, %select_n3A_498 : vector<256x1xf32>
    %le3A_500 = arith.constant 3 : i32
    %le3A_501 = vector.broadcast %le3A_500 : i32 to vector<256x1xi32>
    %le3A_502 = arith.cmpi sle, %add3A_377, %le3A_501 : vector<256x1xi32>
    %gt3A_503 = arith.constant 3 : i32
    %gt3A_504 = vector.broadcast %gt3A_503 : i32 to vector<256x1xi32>
    %gt3A_505 = arith.cmpi sgt, %add3A_466, %gt3A_504 : vector<256x1xi32>
    %and3A_506 = arith.andi %le3A_502, %gt3A_505 : vector<256x1xi1>
    %jit3A_507 = arith.constant 0.000000e+00 : f32
    %broadcast_in_dim3A_508 = vector.broadcast %jit3A_507 : f32 to vector<256x1xf32>
    %select_n3A_509 = arith.select %and3A_506, %sqrt3A_82, %broadcast_in_dim3A_508 : vector<256x1xi1>, vector<256x1xf32>
    %add3A_510 = arith.addf %add3A_421, %select_n3A_509 : vector<256x1xf32>
    %le3A_511 = arith.constant 4 : i32
    %le3A_512 = vector.broadcast %le3A_511 : i32 to vector<256x1xi32>
    %le3A_513 = arith.cmpi sle, %add3A_377, %le3A_512 : vector<256x1xi32>
    %gt3A_514 = arith.constant 4 : i32
    %gt3A_515 = vector.broadcast %gt3A_514 : i32 to vector<256x1xi32>
    %gt3A_516 = arith.cmpi sgt, %add3A_466, %gt3A_515 : vector<256x1xi32>
    %and3A_517 = arith.andi %le3A_513, %gt3A_516 : vector<256x1xi1>
    %jit3A_518 = arith.constant 0.000000e+00 : f32
    %broadcast_in_dim3A_519 = vector.broadcast %jit3A_518 : f32 to vector<256x1xf32>
    %select_n3A_520 = arith.select %and3A_517, %sqrt3A_82, %broadcast_in_dim3A_519 : vector<256x1xi1>, vector<256x1xf32>
    %add3A_521 = arith.addf %add3A_432, %select_n3A_520 : vector<256x1xf32>
    %le3A_522 = arith.constant 5 : i32
    %le3A_523 = vector.broadcast %le3A_522 : i32 to vector<256x1xi32>
    %le3A_524 = arith.cmpi sle, %add3A_377, %le3A_523 : vector<256x1xi32>
    %gt3A_525 = arith.constant 5 : i32
    %gt3A_526 = vector.broadcast %gt3A_525 : i32 to vector<256x1xi32>
    %gt3A_527 = arith.cmpi sgt, %add3A_466, %gt3A_526 : vector<256x1xi32>
    %and3A_528 = arith.andi %le3A_524, %gt3A_527 : vector<256x1xi1>
    %jit3A_529 = arith.constant 0.000000e+00 : f32
    %broadcast_in_dim3A_530 = vector.broadcast %jit3A_529 : f32 to vector<256x1xf32>
    %select_n3A_531 = arith.select %and3A_528, %sqrt3A_82, %broadcast_in_dim3A_530 : vector<256x1xi1>, vector<256x1xf32>
    %add3A_532 = arith.addf %add3A_443, %select_n3A_531 : vector<256x1xf32>
    %le3A_533 = arith.constant 6 : i32
    %le3A_534 = vector.broadcast %le3A_533 : i32 to vector<256x1xi32>
    %le3A_535 = arith.cmpi sle, %add3A_377, %le3A_534 : vector<256x1xi32>
    %gt3A_536 = arith.constant 6 : i32
    %gt3A_537 = vector.broadcast %gt3A_536 : i32 to vector<256x1xi32>
    %gt3A_538 = arith.cmpi sgt, %add3A_466, %gt3A_537 : vector<256x1xi32>
    %and3A_539 = arith.andi %le3A_535, %gt3A_538 : vector<256x1xi1>
    %jit3A_540 = arith.constant 0.000000e+00 : f32
    %broadcast_in_dim3A_541 = vector.broadcast %jit3A_540 : f32 to vector<256x1xf32>
    %select_n3A_542 = arith.select %and3A_539, %sqrt3A_82, %broadcast_in_dim3A_541 : vector<256x1xi1>, vector<256x1xf32>
    %add3A_543 = arith.addf %add3A_454, %select_n3A_542 : vector<256x1xf32>
    %le3A_544 = arith.constant 7 : i32
    %le3A_545 = vector.broadcast %le3A_544 : i32 to vector<256x1xi32>
    %le3A_546 = arith.cmpi sle, %add3A_377, %le3A_545 : vector<256x1xi32>
    %gt3A_547 = arith.constant 7 : i32
    %gt3A_548 = vector.broadcast %gt3A_547 : i32 to vector<256x1xi32>
    %gt3A_549 = arith.cmpi sgt, %add3A_466, %gt3A_548 : vector<256x1xi32>
    %and3A_550 = arith.andi %le3A_546, %gt3A_549 : vector<256x1xi1>
    %jit3A_551 = arith.constant 0.000000e+00 : f32
    %broadcast_in_dim3A_552 = vector.broadcast %jit3A_551 : f32 to vector<256x1xf32>
    %select_n3A_553 = arith.select %and3A_550, %sqrt3A_82, %broadcast_in_dim3A_552 : vector<256x1xi1>, vector<256x1xf32>
    %add3A_554 = arith.addf %add3A_465, %select_n3A_553 : vector<256x1xf32>
    %add3A_555 = arith.addi %add3A_466, %broadcast_in_dim3A_91 : vector<256x1xi32>
    %le3A_556 = arith.constant 0 : i32
    %le3A_557 = vector.broadcast %le3A_556 : i32 to vector<256x1xi32>
    %le3A_558 = arith.cmpi sle, %add3A_466, %le3A_557 : vector<256x1xi32>
    %gt3A_559 = arith.constant 0 : i32
    %gt3A_560 = vector.broadcast %gt3A_559 : i32 to vector<256x1xi32>
    %gt3A_561 = arith.cmpi sgt, %add3A_555, %gt3A_560 : vector<256x1xi32>
    %and3A_562 = arith.andi %le3A_558, %gt3A_561 : vector<256x1xi1>
    %jit3A_563 = arith.constant 0.000000e+00 : f32
    %broadcast_in_dim3A_564 = vector.broadcast %jit3A_563 : f32 to vector<256x1xf32>
    %select_n3A_565 = arith.select %and3A_562, %sqrt3A_95, %broadcast_in_dim3A_564 : vector<256x1xi1>, vector<256x1xf32>
    %add3A_566 = arith.addf %add3A_477, %select_n3A_565 : vector<256x1xf32>
    %le3A_567 = arith.constant 1 : i32
    %le3A_568 = vector.broadcast %le3A_567 : i32 to vector<256x1xi32>
    %le3A_569 = arith.cmpi sle, %add3A_466, %le3A_568 : vector<256x1xi32>
    %gt3A_570 = arith.constant 1 : i32
    %gt3A_571 = vector.broadcast %gt3A_570 : i32 to vector<256x1xi32>
    %gt3A_572 = arith.cmpi sgt, %add3A_555, %gt3A_571 : vector<256x1xi32>
    %and3A_573 = arith.andi %le3A_569, %gt3A_572 : vector<256x1xi1>
    %jit3A_574 = arith.constant 0.000000e+00 : f32
    %broadcast_in_dim3A_575 = vector.broadcast %jit3A_574 : f32 to vector<256x1xf32>
    %select_n3A_576 = arith.select %and3A_573, %sqrt3A_95, %broadcast_in_dim3A_575 : vector<256x1xi1>, vector<256x1xf32>
    %add3A_577 = arith.addf %add3A_488, %select_n3A_576 : vector<256x1xf32>
    %le3A_578 = arith.constant 2 : i32
    %le3A_579 = vector.broadcast %le3A_578 : i32 to vector<256x1xi32>
    %le3A_580 = arith.cmpi sle, %add3A_466, %le3A_579 : vector<256x1xi32>
    %gt3A_581 = arith.constant 2 : i32
    %gt3A_582 = vector.broadcast %gt3A_581 : i32 to vector<256x1xi32>
    %gt3A_583 = arith.cmpi sgt, %add3A_555, %gt3A_582 : vector<256x1xi32>
    %and3A_584 = arith.andi %le3A_580, %gt3A_583 : vector<256x1xi1>
    %jit3A_585 = arith.constant 0.000000e+00 : f32
    %broadcast_in_dim3A_586 = vector.broadcast %jit3A_585 : f32 to vector<256x1xf32>
    %select_n3A_587 = arith.select %and3A_584, %sqrt3A_95, %broadcast_in_dim3A_586 : vector<256x1xi1>, vector<256x1xf32>
    %add3A_588 = arith.addf %add3A_499, %select_n3A_587 : vector<256x1xf32>
    %le3A_589 = arith.constant 3 : i32
    %le3A_590 = vector.broadcast %le3A_589 : i32 to vector<256x1xi32>
    %le3A_591 = arith.cmpi sle, %add3A_466, %le3A_590 : vector<256x1xi32>
    %gt3A_592 = arith.constant 3 : i32
    %gt3A_593 = vector.broadcast %gt3A_592 : i32 to vector<256x1xi32>
    %gt3A_594 = arith.cmpi sgt, %add3A_555, %gt3A_593 : vector<256x1xi32>
    %and3A_595 = arith.andi %le3A_591, %gt3A_594 : vector<256x1xi1>
    %jit3A_596 = arith.constant 0.000000e+00 : f32
    %broadcast_in_dim3A_597 = vector.broadcast %jit3A_596 : f32 to vector<256x1xf32>
    %select_n3A_598 = arith.select %and3A_595, %sqrt3A_95, %broadcast_in_dim3A_597 : vector<256x1xi1>, vector<256x1xf32>
    %add3A_599 = arith.addf %add3A_510, %select_n3A_598 : vector<256x1xf32>
    %le3A_600 = arith.constant 4 : i32
    %le3A_601 = vector.broadcast %le3A_600 : i32 to vector<256x1xi32>
    %le3A_602 = arith.cmpi sle, %add3A_466, %le3A_601 : vector<256x1xi32>
    %gt3A_603 = arith.constant 4 : i32
    %gt3A_604 = vector.broadcast %gt3A_603 : i32 to vector<256x1xi32>
    %gt3A_605 = arith.cmpi sgt, %add3A_555, %gt3A_604 : vector<256x1xi32>
    %and3A_606 = arith.andi %le3A_602, %gt3A_605 : vector<256x1xi1>
    %jit3A_607 = arith.constant 0.000000e+00 : f32
    %broadcast_in_dim3A_608 = vector.broadcast %jit3A_607 : f32 to vector<256x1xf32>
    %select_n3A_609 = arith.select %and3A_606, %sqrt3A_95, %broadcast_in_dim3A_608 : vector<256x1xi1>, vector<256x1xf32>
    %add3A_610 = arith.addf %add3A_521, %select_n3A_609 : vector<256x1xf32>
    %le3A_611 = arith.constant 5 : i32
    %le3A_612 = vector.broadcast %le3A_611 : i32 to vector<256x1xi32>
    %le3A_613 = arith.cmpi sle, %add3A_466, %le3A_612 : vector<256x1xi32>
    %gt3A_614 = arith.constant 5 : i32
    %gt3A_615 = vector.broadcast %gt3A_614 : i32 to vector<256x1xi32>
    %gt3A_616 = arith.cmpi sgt, %add3A_555, %gt3A_615 : vector<256x1xi32>
    %and3A_617 = arith.andi %le3A_613, %gt3A_616 : vector<256x1xi1>
    %jit3A_618 = arith.constant 0.000000e+00 : f32
    %broadcast_in_dim3A_619 = vector.broadcast %jit3A_618 : f32 to vector<256x1xf32>
    %select_n3A_620 = arith.select %and3A_617, %sqrt3A_95, %broadcast_in_dim3A_619 : vector<256x1xi1>, vector<256x1xf32>
    %add3A_621 = arith.addf %add3A_532, %select_n3A_620 : vector<256x1xf32>
    %le3A_622 = arith.constant 6 : i32
    %le3A_623 = vector.broadcast %le3A_622 : i32 to vector<256x1xi32>
    %le3A_624 = arith.cmpi sle, %add3A_466, %le3A_623 : vector<256x1xi32>
    %gt3A_625 = arith.constant 6 : i32
    %gt3A_626 = vector.broadcast %gt3A_625 : i32 to vector<256x1xi32>
    %gt3A_627 = arith.cmpi sgt, %add3A_555, %gt3A_626 : vector<256x1xi32>
    %and3A_628 = arith.andi %le3A_624, %gt3A_627 : vector<256x1xi1>
    %jit3A_629 = arith.constant 0.000000e+00 : f32
    %broadcast_in_dim3A_630 = vector.broadcast %jit3A_629 : f32 to vector<256x1xf32>
    %select_n3A_631 = arith.select %and3A_628, %sqrt3A_95, %broadcast_in_dim3A_630 : vector<256x1xi1>, vector<256x1xf32>
    %add3A_632 = arith.addf %add3A_543, %select_n3A_631 : vector<256x1xf32>
    %le3A_633 = arith.constant 7 : i32
    %le3A_634 = vector.broadcast %le3A_633 : i32 to vector<256x1xi32>
    %le3A_635 = arith.cmpi sle, %add3A_466, %le3A_634 : vector<256x1xi32>
    %gt3A_636 = arith.constant 7 : i32
    %gt3A_637 = vector.broadcast %gt3A_636 : i32 to vector<256x1xi32>
    %gt3A_638 = arith.cmpi sgt, %add3A_555, %gt3A_637 : vector<256x1xi32>
    %and3A_639 = arith.andi %le3A_635, %gt3A_638 : vector<256x1xi1>
    %jit3A_640 = arith.constant 0.000000e+00 : f32
    %broadcast_in_dim3A_641 = vector.broadcast %jit3A_640 : f32 to vector<256x1xf32>
    %select_n3A_642 = arith.select %and3A_639, %sqrt3A_95, %broadcast_in_dim3A_641 : vector<256x1xi1>, vector<256x1xf32>
    %add3A_643 = arith.addf %add3A_554, %select_n3A_642 : vector<256x1xf32>
    %add3A_644 = arith.addi %add3A_555, %broadcast_in_dim3A_104 : vector<256x1xi32>
    %le3A_645 = arith.constant 0 : i32
    %le3A_646 = vector.broadcast %le3A_645 : i32 to vector<256x1xi32>
    %le3A_647 = arith.cmpi sle, %add3A_555, %le3A_646 : vector<256x1xi32>
    %gt3A_648 = arith.constant 0 : i32
    %gt3A_649 = vector.broadcast %gt3A_648 : i32 to vector<256x1xi32>
    %gt3A_650 = arith.cmpi sgt, %add3A_644, %gt3A_649 : vector<256x1xi32>
    %and3A_651 = arith.andi %le3A_647, %gt3A_650 : vector<256x1xi1>
    %jit3A_652 = arith.constant 0.000000e+00 : f32
    %broadcast_in_dim3A_653 = vector.broadcast %jit3A_652 : f32 to vector<256x1xf32>
    %select_n3A_654 = arith.select %and3A_651, %sqrt3A_108, %broadcast_in_dim3A_653 : vector<256x1xi1>, vector<256x1xf32>
    %add3A_655 = arith.addf %add3A_566, %select_n3A_654 : vector<256x1xf32>
    %le3A_656 = arith.constant 1 : i32
    %le3A_657 = vector.broadcast %le3A_656 : i32 to vector<256x1xi32>
    %le3A_658 = arith.cmpi sle, %add3A_555, %le3A_657 : vector<256x1xi32>
    %gt3A_659 = arith.constant 1 : i32
    %gt3A_660 = vector.broadcast %gt3A_659 : i32 to vector<256x1xi32>
    %gt3A_661 = arith.cmpi sgt, %add3A_644, %gt3A_660 : vector<256x1xi32>
    %and3A_662 = arith.andi %le3A_658, %gt3A_661 : vector<256x1xi1>
    %jit3A_663 = arith.constant 0.000000e+00 : f32
    %broadcast_in_dim3A_664 = vector.broadcast %jit3A_663 : f32 to vector<256x1xf32>
    %select_n3A_665 = arith.select %and3A_662, %sqrt3A_108, %broadcast_in_dim3A_664 : vector<256x1xi1>, vector<256x1xf32>
    %add3A_666 = arith.addf %add3A_577, %select_n3A_665 : vector<256x1xf32>
    %le3A_667 = arith.constant 2 : i32
    %le3A_668 = vector.broadcast %le3A_667 : i32 to vector<256x1xi32>
    %le3A_669 = arith.cmpi sle, %add3A_555, %le3A_668 : vector<256x1xi32>
    %gt3A_670 = arith.constant 2 : i32
    %gt3A_671 = vector.broadcast %gt3A_670 : i32 to vector<256x1xi32>
    %gt3A_672 = arith.cmpi sgt, %add3A_644, %gt3A_671 : vector<256x1xi32>
    %and3A_673 = arith.andi %le3A_669, %gt3A_672 : vector<256x1xi1>
    %jit3A_674 = arith.constant 0.000000e+00 : f32
    %broadcast_in_dim3A_675 = vector.broadcast %jit3A_674 : f32 to vector<256x1xf32>
    %select_n3A_676 = arith.select %and3A_673, %sqrt3A_108, %broadcast_in_dim3A_675 : vector<256x1xi1>, vector<256x1xf32>
    %add3A_677 = arith.addf %add3A_588, %select_n3A_676 : vector<256x1xf32>
    %le3A_678 = arith.constant 3 : i32
    %le3A_679 = vector.broadcast %le3A_678 : i32 to vector<256x1xi32>
    %le3A_680 = arith.cmpi sle, %add3A_555, %le3A_679 : vector<256x1xi32>
    %gt3A_681 = arith.constant 3 : i32
    %gt3A_682 = vector.broadcast %gt3A_681 : i32 to vector<256x1xi32>
    %gt3A_683 = arith.cmpi sgt, %add3A_644, %gt3A_682 : vector<256x1xi32>
    %and3A_684 = arith.andi %le3A_680, %gt3A_683 : vector<256x1xi1>
    %jit3A_685 = arith.constant 0.000000e+00 : f32
    %broadcast_in_dim3A_686 = vector.broadcast %jit3A_685 : f32 to vector<256x1xf32>
    %select_n3A_687 = arith.select %and3A_684, %sqrt3A_108, %broadcast_in_dim3A_686 : vector<256x1xi1>, vector<256x1xf32>
    %add3A_688 = arith.addf %add3A_599, %select_n3A_687 : vector<256x1xf32>
    %le3A_689 = arith.constant 4 : i32
    %le3A_690 = vector.broadcast %le3A_689 : i32 to vector<256x1xi32>
    %le3A_691 = arith.cmpi sle, %add3A_555, %le3A_690 : vector<256x1xi32>
    %gt3A_692 = arith.constant 4 : i32
    %gt3A_693 = vector.broadcast %gt3A_692 : i32 to vector<256x1xi32>
    %gt3A_694 = arith.cmpi sgt, %add3A_644, %gt3A_693 : vector<256x1xi32>
    %and3A_695 = arith.andi %le3A_691, %gt3A_694 : vector<256x1xi1>
    %jit3A_696 = arith.constant 0.000000e+00 : f32
    %broadcast_in_dim3A_697 = vector.broadcast %jit3A_696 : f32 to vector<256x1xf32>
    %select_n3A_698 = arith.select %and3A_695, %sqrt3A_108, %broadcast_in_dim3A_697 : vector<256x1xi1>, vector<256x1xf32>
    %add3A_699 = arith.addf %add3A_610, %select_n3A_698 : vector<256x1xf32>
    %le3A_700 = arith.constant 5 : i32
    %le3A_701 = vector.broadcast %le3A_700 : i32 to vector<256x1xi32>
    %le3A_702 = arith.cmpi sle, %add3A_555, %le3A_701 : vector<256x1xi32>
    %gt3A_703 = arith.constant 5 : i32
    %gt3A_704 = vector.broadcast %gt3A_703 : i32 to vector<256x1xi32>
    %gt3A_705 = arith.cmpi sgt, %add3A_644, %gt3A_704 : vector<256x1xi32>
    %and3A_706 = arith.andi %le3A_702, %gt3A_705 : vector<256x1xi1>
    %jit3A_707 = arith.constant 0.000000e+00 : f32
    %broadcast_in_dim3A_708 = vector.broadcast %jit3A_707 : f32 to vector<256x1xf32>
    %select_n3A_709 = arith.select %and3A_706, %sqrt3A_108, %broadcast_in_dim3A_708 : vector<256x1xi1>, vector<256x1xf32>
    %add3A_710 = arith.addf %add3A_621, %select_n3A_709 : vector<256x1xf32>
    %le3A_711 = arith.constant 6 : i32
    %le3A_712 = vector.broadcast %le3A_711 : i32 to vector<256x1xi32>
    %le3A_713 = arith.cmpi sle, %add3A_555, %le3A_712 : vector<256x1xi32>
    %gt3A_714 = arith.constant 6 : i32
    %gt3A_715 = vector.broadcast %gt3A_714 : i32 to vector<256x1xi32>
    %gt3A_716 = arith.cmpi sgt, %add3A_644, %gt3A_715 : vector<256x1xi32>
    %and3A_717 = arith.andi %le3A_713, %gt3A_716 : vector<256x1xi1>
    %jit3A_718 = arith.constant 0.000000e+00 : f32
    %broadcast_in_dim3A_719 = vector.broadcast %jit3A_718 : f32 to vector<256x1xf32>
    %select_n3A_720 = arith.select %and3A_717, %sqrt3A_108, %broadcast_in_dim3A_719 : vector<256x1xi1>, vector<256x1xf32>
    %add3A_721 = arith.addf %add3A_632, %select_n3A_720 : vector<256x1xf32>
    %le3A_722 = arith.constant 7 : i32
    %le3A_723 = vector.broadcast %le3A_722 : i32 to vector<256x1xi32>
    %le3A_724 = arith.cmpi sle, %add3A_555, %le3A_723 : vector<256x1xi32>
    %gt3A_725 = arith.constant 7 : i32
    %gt3A_726 = vector.broadcast %gt3A_725 : i32 to vector<256x1xi32>
    %gt3A_727 = arith.cmpi sgt, %add3A_644, %gt3A_726 : vector<256x1xi32>
    %and3A_728 = arith.andi %le3A_724, %gt3A_727 : vector<256x1xi1>
    %jit3A_729 = arith.constant 0.000000e+00 : f32
    %broadcast_in_dim3A_730 = vector.broadcast %jit3A_729 : f32 to vector<256x1xf32>
    %select_n3A_731 = arith.select %and3A_728, %sqrt3A_108, %broadcast_in_dim3A_730 : vector<256x1xi1>, vector<256x1xf32>
    %add3A_732 = arith.addf %add3A_643, %select_n3A_731 : vector<256x1xf32>
    %add3A_733 = arith.addi %add3A_644, %broadcast_in_dim3A_117 : vector<256x1xi32>
    %le3A_734 = arith.constant 0 : i32
    %le3A_735 = vector.broadcast %le3A_734 : i32 to vector<256x1xi32>
    %le3A_736 = arith.cmpi sle, %add3A_644, %le3A_735 : vector<256x1xi32>
    %gt3A_737 = arith.constant 0 : i32
    %gt3A_738 = vector.broadcast %gt3A_737 : i32 to vector<256x1xi32>
    %gt3A_739 = arith.cmpi sgt, %add3A_733, %gt3A_738 : vector<256x1xi32>
    %and3A_740 = arith.andi %le3A_736, %gt3A_739 : vector<256x1xi1>
    %jit3A_741 = arith.constant 0.000000e+00 : f32
    %broadcast_in_dim3A_742 = vector.broadcast %jit3A_741 : f32 to vector<256x1xf32>
    %select_n3A_743 = arith.select %and3A_740, %sqrt3A_118, %broadcast_in_dim3A_742 : vector<256x1xi1>, vector<256x1xf32>
    %add3A_744 = arith.addf %add3A_655, %select_n3A_743 : vector<256x1xf32>
    %le3A_745 = arith.constant 1 : i32
    %le3A_746 = vector.broadcast %le3A_745 : i32 to vector<256x1xi32>
    %le3A_747 = arith.cmpi sle, %add3A_644, %le3A_746 : vector<256x1xi32>
    %gt3A_748 = arith.constant 1 : i32
    %gt3A_749 = vector.broadcast %gt3A_748 : i32 to vector<256x1xi32>
    %gt3A_750 = arith.cmpi sgt, %add3A_733, %gt3A_749 : vector<256x1xi32>
    %and3A_751 = arith.andi %le3A_747, %gt3A_750 : vector<256x1xi1>
    %jit3A_752 = arith.constant 0.000000e+00 : f32
    %broadcast_in_dim3A_753 = vector.broadcast %jit3A_752 : f32 to vector<256x1xf32>
    %select_n3A_754 = arith.select %and3A_751, %sqrt3A_118, %broadcast_in_dim3A_753 : vector<256x1xi1>, vector<256x1xf32>
    %add3A_755 = arith.addf %add3A_666, %select_n3A_754 : vector<256x1xf32>
    %le3A_756 = arith.constant 2 : i32
    %le3A_757 = vector.broadcast %le3A_756 : i32 to vector<256x1xi32>
    %le3A_758 = arith.cmpi sle, %add3A_644, %le3A_757 : vector<256x1xi32>
    %gt3A_759 = arith.constant 2 : i32
    %gt3A_760 = vector.broadcast %gt3A_759 : i32 to vector<256x1xi32>
    %gt3A_761 = arith.cmpi sgt, %add3A_733, %gt3A_760 : vector<256x1xi32>
    %and3A_762 = arith.andi %le3A_758, %gt3A_761 : vector<256x1xi1>
    %jit3A_763 = arith.constant 0.000000e+00 : f32
    %broadcast_in_dim3A_764 = vector.broadcast %jit3A_763 : f32 to vector<256x1xf32>
    %select_n3A_765 = arith.select %and3A_762, %sqrt3A_118, %broadcast_in_dim3A_764 : vector<256x1xi1>, vector<256x1xf32>
    %add3A_766 = arith.addf %add3A_677, %select_n3A_765 : vector<256x1xf32>
    %le3A_767 = arith.constant 3 : i32
    %le3A_768 = vector.broadcast %le3A_767 : i32 to vector<256x1xi32>
    %le3A_769 = arith.cmpi sle, %add3A_644, %le3A_768 : vector<256x1xi32>
    %gt3A_770 = arith.constant 3 : i32
    %gt3A_771 = vector.broadcast %gt3A_770 : i32 to vector<256x1xi32>
    %gt3A_772 = arith.cmpi sgt, %add3A_733, %gt3A_771 : vector<256x1xi32>
    %and3A_773 = arith.andi %le3A_769, %gt3A_772 : vector<256x1xi1>
    %jit3A_774 = arith.constant 0.000000e+00 : f32
    %broadcast_in_dim3A_775 = vector.broadcast %jit3A_774 : f32 to vector<256x1xf32>
    %select_n3A_776 = arith.select %and3A_773, %sqrt3A_118, %broadcast_in_dim3A_775 : vector<256x1xi1>, vector<256x1xf32>
    %add3A_777 = arith.addf %add3A_688, %select_n3A_776 : vector<256x1xf32>
    %le3A_778 = arith.constant 4 : i32
    %le3A_779 = vector.broadcast %le3A_778 : i32 to vector<256x1xi32>
    %le3A_780 = arith.cmpi sle, %add3A_644, %le3A_779 : vector<256x1xi32>
    %gt3A_781 = arith.constant 4 : i32
    %gt3A_782 = vector.broadcast %gt3A_781 : i32 to vector<256x1xi32>
    %gt3A_783 = arith.cmpi sgt, %add3A_733, %gt3A_782 : vector<256x1xi32>
    %and3A_784 = arith.andi %le3A_780, %gt3A_783 : vector<256x1xi1>
    %jit3A_785 = arith.constant 0.000000e+00 : f32
    %broadcast_in_dim3A_786 = vector.broadcast %jit3A_785 : f32 to vector<256x1xf32>
    %select_n3A_787 = arith.select %and3A_784, %sqrt3A_118, %broadcast_in_dim3A_786 : vector<256x1xi1>, vector<256x1xf32>
    %add3A_788 = arith.addf %add3A_699, %select_n3A_787 : vector<256x1xf32>
    %le3A_789 = arith.constant 5 : i32
    %le3A_790 = vector.broadcast %le3A_789 : i32 to vector<256x1xi32>
    %le3A_791 = arith.cmpi sle, %add3A_644, %le3A_790 : vector<256x1xi32>
    %gt3A_792 = arith.constant 5 : i32
    %gt3A_793 = vector.broadcast %gt3A_792 : i32 to vector<256x1xi32>
    %gt3A_794 = arith.cmpi sgt, %add3A_733, %gt3A_793 : vector<256x1xi32>
    %and3A_795 = arith.andi %le3A_791, %gt3A_794 : vector<256x1xi1>
    %jit3A_796 = arith.constant 0.000000e+00 : f32
    %broadcast_in_dim3A_797 = vector.broadcast %jit3A_796 : f32 to vector<256x1xf32>
    %select_n3A_798 = arith.select %and3A_795, %sqrt3A_118, %broadcast_in_dim3A_797 : vector<256x1xi1>, vector<256x1xf32>
    %add3A_799 = arith.addf %add3A_710, %select_n3A_798 : vector<256x1xf32>
    %le3A_800 = arith.constant 6 : i32
    %le3A_801 = vector.broadcast %le3A_800 : i32 to vector<256x1xi32>
    %le3A_802 = arith.cmpi sle, %add3A_644, %le3A_801 : vector<256x1xi32>
    %gt3A_803 = arith.constant 6 : i32
    %gt3A_804 = vector.broadcast %gt3A_803 : i32 to vector<256x1xi32>
    %gt3A_805 = arith.cmpi sgt, %add3A_733, %gt3A_804 : vector<256x1xi32>
    %and3A_806 = arith.andi %le3A_802, %gt3A_805 : vector<256x1xi1>
    %jit3A_807 = arith.constant 0.000000e+00 : f32
    %broadcast_in_dim3A_808 = vector.broadcast %jit3A_807 : f32 to vector<256x1xf32>
    %select_n3A_809 = arith.select %and3A_806, %sqrt3A_118, %broadcast_in_dim3A_808 : vector<256x1xi1>, vector<256x1xf32>
    %add3A_810 = arith.addf %add3A_721, %select_n3A_809 : vector<256x1xf32>
    %le3A_811 = arith.constant 7 : i32
    %le3A_812 = vector.broadcast %le3A_811 : i32 to vector<256x1xi32>
    %le3A_813 = arith.cmpi sle, %add3A_644, %le3A_812 : vector<256x1xi32>
    %gt3A_814 = arith.constant 7 : i32
    %gt3A_815 = vector.broadcast %gt3A_814 : i32 to vector<256x1xi32>
    %gt3A_816 = arith.cmpi sgt, %add3A_733, %gt3A_815 : vector<256x1xi32>
    %and3A_817 = arith.andi %le3A_813, %gt3A_816 : vector<256x1xi1>
    %jit3A_818 = arith.constant 0.000000e+00 : f32
    %broadcast_in_dim3A_819 = vector.broadcast %jit3A_818 : f32 to vector<256x1xf32>
    %select_n3A_820 = arith.select %and3A_817, %sqrt3A_118, %broadcast_in_dim3A_819 : vector<256x1xi1>, vector<256x1xf32>
    %add3A_821 = arith.addf %add3A_732, %select_n3A_820 : vector<256x1xf32>
    %add3A_822 = arith.addf %add3A_744, %add3A_788 : vector<256x1xf32>
    %add3A_823 = arith.addf %add3A_755, %add3A_799 : vector<256x1xf32>
    %add3A_824 = arith.addf %add3A_766, %add3A_810 : vector<256x1xf32>
    %add3A_825 = arith.addf %add3A_777, %add3A_821 : vector<256x1xf32>
    %add3A_826 = arith.addf %add3A_822, %add3A_824 : vector<256x1xf32>
    %add3A_827 = arith.addf %add3A_823, %add3A_825 : vector<256x1xf32>
    %add3A_828 = arith.addf %add3A_826, %add3A_827 : vector<256x1xf32>
    %mul3A_829 = arith.constant 1.250000e-01 : f32
    %mul3A_830 = vector.broadcast %mul3A_829 : f32 to vector<256x1xf32>
    %mul3A_831 = arith.mulf %add3A_828, %mul3A_830 : vector<256x1xf32>
    %squeeze3A = vector.shape_cast %mul3A_831 : vector<256x1xf32> to vector<256xf32>
    %swap3A = arith.constant 0 : index
    %swap3A_832 = arith.constant 0 : index
    %swap3A_833 = arith.constant 0 : index
    %swap3A_834 = vector.load %arg6[%swap3A, %swap3A_832, %swap3A_833] : memref<1x1x256xf32, #tpu.memory_space<vmem>>, vector<1x1x256xf32>
    %swap3A_835 = vector.shape_cast %swap3A_834 : vector<1x1x256xf32> to vector<256xf32>
    %swap3A_836 = vector.shape_cast %squeeze3A : vector<256xf32> to vector<1x1x256xf32>
    tpu.vector_store %arg6[%swap3A, %swap3A_832, %swap3A_833], %swap3A_836 {strides = array<i32>} : memref<1x1x256xf32, #tpu.memory_space<vmem>>, vector<1x1x256xf32>,
    %swap3A_837 = arith.constant 0 : index
    %swap3A_838 = arith.constant 0 : index
    %swap3A_839 = arith.constant 0 : index
    %swap3A_840 = vector.load %arg7[%swap3A_837, %swap3A_838, %swap3A_839] : memref<1x256x1xf32, #tpu.memory_space<vmem>>, vector<1x256x1xf32>
    %swap3A_841 = vector.shape_cast %swap3A_840 : vector<1x256x1xf32> to vector<256x1xf32>
    %swap3A_842 = vector.shape_cast %mul3A_831 : vector<256x1xf32> to vector<1x256x1xf32>
    tpu.vector_store %arg7[%swap3A_837, %swap3A_838, %swap3A_839], %swap3A_842 {strides = array<i32>} : memref<1x256x1xf32, #tpu.memory_space<vmem>>, vector<1x256x1xf32>,
    return
  }
  func.func @transform_0(%arg0: i32, %arg1: i32) -> (i32, i32, i32) {
    %c0_i32 = arith.constant 0 : i32
    %c0_i32_0 = arith.constant 0 : i32
    return %arg0, %arg1, %c0_i32 : i32, i32, i32
  }
  func.func @transform_1(%arg0: i32, %arg1: i32) -> (i32, i32, i32) {
    %c0_i32 = arith.constant 0 : i32
    %c0_i32_0 = arith.constant 0 : i32
    %c0_i32_1 = arith.constant 0 : i32
    return %arg0, %c0_i32, %c0_i32_0 : i32, i32, i32
  }
  func.func @transform_2(%arg0: i32, %arg1: i32) -> (i32, i32, i32) {
    %c0_i32 = arith.constant 0 : i32
    %c0_i32_0 = arith.constant 0 : i32
    return %arg0, %arg1, %c0_i32 : i32, i32, i32
  }
  func.func @transform_3(%arg0: i32, %arg1: i32) -> (i32, i32, i32) {
    %c0_i32 = arith.constant 0 : i32
    %c0_i32_0 = arith.constant 0 : i32
    %c0_i32_1 = arith.constant 0 : i32
    return %arg0, %c0_i32, %c0_i32_0 : i32, i32, i32
  }
  func.func @transform_4(%arg0: i32, %arg1: i32) -> (i32, i32, i32) {
    %c0_i32 = arith.constant 0 : i32
    %c0_i32_0 = arith.constant 0 : i32
    return %arg0, %c0_i32, %arg1 : i32, i32, i32
  }
  func.func @transform_5(%arg0: i32, %arg1: i32) -> (i32, i32, i32) {
    %c0_i32 = arith.constant 0 : i32
    %c0_i32_0 = arith.constant 0 : i32
    return %arg0, %arg1, %c0_i32 : i32, i32, i32
  }
}

module attributes {stable_mosaic.version = 14 : i64} {
  func.func @_inds_kernel(%arg0: i32, %arg1: i32, %arg2: memref<1x1x4096xi32, #tpu.memory_space<vmem>>, %arg3: memref<1x256x1xi32, #tpu.memory_space<vmem>>) attributes {dimension_semantics = [#tpu.dimension_semantics<arbitrary>, #tpu.dimension_semantics<arbitrary>], iteration_bounds = array<i64: 4, 4>, scalar_prefetch = 0 : i64, scratch_operands = 0 : i64, tpu.core_type = #tpu.core_type<tc>, window_params = [{transform_indices = @transform_0, window_bounds = array<i64: 1, 1, 4096>}, {transform_indices = @transform_1, window_bounds = array<i64: 1, 256, 1>}]} {
    %get3A = arith.constant 0 : index
    %get3A_0 = arith.constant 0 : index
    %get3A_1 = arith.constant 0 : index
    %get3A_2 = vector.load %arg2[%get3A, %get3A_0, %get3A_1] : memref<1x1x4096xi32, #tpu.memory_space<vmem>>, vector<1x1x4096xi32>
    %get3A_3 = vector.shape_cast %get3A_2 : vector<1x1x4096xi32> to vector<1x4096xi32>
    %iota3A = tpu.iota {dimensions = array<i32: 0>} : vector<256x4096xi32>
    %mul3A = arith.constant 256 : i32
    %mul3A_4 = arith.muli %arg1, %mul3A : i32
    %add3A = vector.broadcast %mul3A_4 : i32 to vector<256x4096xi32>
    %add3A_5 = arith.addi %iota3A, %add3A : vector<256x4096xi32>
    %eq3A = vector.broadcast %get3A_3 : vector<1x4096xi32> to vector<256x4096xi32>
    %eq3A_6 = arith.cmpi eq, %eq3A, %add3A_5 : vector<256x4096xi32>
    %iota3A_7 = tpu.iota {dimensions = array<i32: 1>} : vector<256x4096xi32>
    %jit3A = arith.constant 0 : i32
    %broadcast_in_dim3A = vector.broadcast %jit3A : i32 to vector<256x4096xi32>
    %select_n3A = arith.select %eq3A_6, %iota3A_7, %broadcast_in_dim3A : vector<256x4096xi1>, vector<256x4096xi32>
    %reduce_sum3A = arith.constant dense<0> : vector<256xi32>
    %reduce_sum3A_8 = vector.multi_reduction <add>, %select_n3A, %reduce_sum3A [1] : vector<256x4096xi32> to vector<256xi32>
    %broadcast_in_dim3A_9 = vector.shape_cast %reduce_sum3A_8 : vector<256xi32> to vector<256x1xi32>
    %mul3A_10 = arith.constant 4096 : i32
    %mul3A_11 = arith.muli %arg0, %mul3A_10 : i32
    %add3A_12 = vector.broadcast %mul3A_11 : i32 to vector<256x1xi32>
    %add3A_13 = arith.addi %broadcast_in_dim3A_9, %add3A_12 : vector<256x1xi32>
    %swap3A = arith.constant 0 : index
    %swap3A_14 = arith.constant 0 : index
    %swap3A_15 = arith.constant 0 : index
    %swap3A_16 = vector.load %arg3[%swap3A, %swap3A_14, %swap3A_15] : memref<1x256x1xi32, #tpu.memory_space<vmem>>, vector<1x256x1xi32>
    %swap3A_17 = vector.shape_cast %swap3A_16 : vector<1x256x1xi32> to vector<256x1xi32>
    %swap3A_18 = vector.shape_cast %add3A_13 : vector<256x1xi32> to vector<1x256x1xi32>
    tpu.vector_store %arg3[%swap3A, %swap3A_14, %swap3A_15], %swap3A_18 {strides = array<i32>} : memref<1x256x1xi32, #tpu.memory_space<vmem>>, vector<1x256x1xi32>,
    return
  }
  func.func @transform_0(%arg0: i32, %arg1: i32) -> (i32, i32, i32) {
    %c0_i32 = arith.constant 0 : i32
    %c0_i32_0 = arith.constant 0 : i32
    %c0_i32_1 = arith.constant 0 : i32
    return %arg0, %c0_i32, %c0_i32_0 : i32, i32, i32
  }
  func.func @transform_1(%arg0: i32, %arg1: i32) -> (i32, i32, i32) {
    %c0_i32 = arith.constant 0 : i32
    %c0_i32_0 = arith.constant 0 : i32
    return %arg0, %arg1, %c0_i32 : i32, i32, i32
  }
}

</mosaic_0001>

<sc_bundles>
// kernel: kernel.6.cloned.1.call-start
scs
__scs_entry_jumppad:
0x0: {  	(pc) =	sbr.rel $0x88, $3  }
0x1: {  	(tag) =	ssettag $0x0;
	lr =	simm.s32 $0x1  }
0x2: {  	[smem:$0x3F9E] =	sst lr;
	_ =	strace $0xD0000000  }
0x3: {  	_ = 	snop  }
0x4: {  	_ = 	snop  }
0x5: {  	_ = 	snop  }
0x6: {  	_ = 	snop  }
0x7: {  	_ = 	snop  }
__scs_overlays_trampoline_lowered:
0x8: {  	[smem:$0x3FAD] =	sst s0  }
0x9: {  	[smem:$0x3FAE] =	sst s1  }
0xa: {  	[smem:$0x3FAF] =	sst s2  }
0xb: {  	[smem:$0x3FB0] =	sst s3  }
0xc: {  	[smem:$0x3FB1] =	sst s4  }
0xd: {  	[smem:$0x3FB2] =	sst s5  }
0xe: {  	[smem:$0x3FB3] =	sst s6  }
0xf: {  	[smem:$0x3FB4] =	sst s7  }
0x10: {  	[smem:$0x3FB5] =	sst s8  }
0x11: {  	[smem:$0x3FB6] =	sst s9;
	s0 =	simm.s32 @!p0 $0x0  }
0x12: {  	s1 =	sld [smem:$0x3F9C];
	s0 =	simm.s32 @p0 $0x1  }
0x13: {  	[smem:$0x3FB7] =	sst s0;
	s0 =	simm.s32 @!p1 $0x0  }
0x14: {  	s2 =	sld [smem:$0x3F9B];
	s0 =	simm.s32 @p1 $0x1  }
0x15: {  	[smem:$0x3FB8] =	sst s0;
	s0 =	simm.s32 @!p2 $0x0  }
0x16: {  	s3 =	sld [smem:$0x3FDB];
	s0 =	simm.s32 @p2 $0x1  }
0x17: {  	s4 =	simm.s32 $0x1BF5;
	[smem:$0x3FBA] =	sst s0  }
0x18: {  	s0 =	sld [smem:$0x3F9D];
	_ =	swait.ge [sflag:s4], $0x0  }
0x19: {  	s7 =	sld [smem:$0x3F9E]  }
0x1a: {  	s8 =	sadd.s32 $0xFFFFE003, lr  }
0x1b: {  	s9 =	sadd.s32 $0xFFFFFEF7, lr;
	s5 =	simm.s32 $0xFFFFFFFF;
	p2 =	slt.u32 s8, $0xFFFFF086  }
0x1c: {  	p1 =	slt.u32 s9, $0xF7A;
	s5 =	simm.s32 @!p2 $0x0  }
0x1d: {  	s5 =	simm.s32 @p1 $0x1;
	p0 =	seq.s32 s7, s2  }
0x1e: {  	s7 =	smul.u32 @!p0 $0xF7A, s2;
	p2 =	seq.s32 @!p0 s5, $0x0  }
0x1f: {  	s9 =	smul.u32 $0xF7A, s1;
	s8 =	simm.s32 @!p0 $0x1BF5;
	p2 =	por !p2, p0  }
0x20: {  	[sflag:s8] =	ssyncset.s32 @!p0 $0xFFFFF086;
	s6 =	sadd.s32 @!p0 s3, s7;
	s7 =	simm.s32 @!p0 $0x108  }
0x21: {  	s3 =	sadd.s32 s3, s9;
	s6 =	sadd.s32 @!p0 $0x88, s6;
	s7 =	simm.s32 @p2 $0x1082  }
0x22: {  	[simem:s7], [sflag:s8] =	dma.local @!p0 [hbm:s6], $0xF7A  }
0x23: {  	s9 =	sor.u32 $0xD0000000, s2;
	s6 =	simm.s32 $0x108;
	_ =	swait.ge @!p0 [sflag:s8], $0x0  }
0x24: {  	s3 =	sadd.s32 $0x88, s3;
	s6 =	simm.s32 @!p1 $0x1082;
	[sflag:s4] =	ssyncset.s32 $0xFFFFF086  }
0x25: {  	[simem:s6], [sflag:s4] =	dma.local [hbm:s3], $0xF7A  }
0x26: {  	[smem:$0x3F9E] =	sst s1;
	(tag) =	ssettag s2;
	_ =	strace s9  }
0x27: {  	s1 =	sld [smem:$0x3FAE]  }
0x28: {  	s2 =	sld [smem:$0x3FAF]  }
0x29: {  	s4 =	sld [smem:$0x3FB1]  }
0x2a: {  	p0 =	seq.s32 s5, $0x0;
	s5 =	sld [smem:$0x3FB2]  }
0x2b: {  	s6 =	sld [smem:$0x3FB3]  }
0x2c: {  	s7 =	sld [smem:$0x3FB4]  }
0x2d: {  	s3 =	simm.s32 $0x108;
	s8 =	sld [smem:$0x3FB5]  }
0x2e: {  	s3 =	simm.s32 @!p0 $0x1082;
	s9 =	sld [smem:$0x3FB6]  }
0x2f: {  	lr =	sadd.s32 s0, s3;
	s0 =	sld [smem:$0x3FAD]  }
0x30: {  	s3 =	sld [smem:$0x3FB0]  }
0x31: {  	[smem:$0x3FB9] =	sst s10  }
0x32: {  	s10 =	sld [smem:$0x3FB7];
	_ =	sdelay $0x3  }
0x33: {  	p0 =	seq.s32 s10, $0x1;
	s10 =	sld [smem:$0x3FB9];
	_ =	sdelay $0x3  }
0x34: {  	[smem:$0x3FB9] =	sst s10  }
0x35: {  	s10 =	sld [smem:$0x3FB8];
	_ =	sdelay $0x3  }
0x36: {  	p1 =	seq.s32 s10, $0x1;
	s10 =	sld [smem:$0x3FB9];
	_ =	sdelay $0x3  }
0x37: {  	[smem:$0x3FB9] =	sst s10  }
0x38: {  	s10 =	sld [smem:$0x3FBA]  }
0x39: {  	_ = 	snop;
	(pc) =	sbr.ind lr, $3  }
0x3a: {  	_ = 	snop  }
0x3b: {  	_ = 	snop  }
0x3c: {  	p2 =	seq.s32 s10, $0x1;
	s10 =	sld [smem:$0x3FB9]  }
0x3d: {  	_ =	shalt  }
0x3e: {  	_ =	shalt  }
0x3f: {  	_ =	shalt  }
0x40: {  	_ =	shalt  }
0x41: {  	_ =	shalt  }
0x42: {  	_ =	shalt  }
0x43: {  	_ =	shalt  }
0x44: {  	_ =	shalt  }
0x45: {  	_ =	shalt  }
0x46: {  	_ =	shalt  }
0x47: {  	_ =	shalt  }
0x48: {  	_ =	shalt  }
0x49: {  	_ =	shalt  }
0x4a: {  	_ =	shalt  }
0x4b: {  	_ =	shalt  }
0x4c: {  	_ =	shalt  }
0x4d: {  	_ =	shalt  }
0x4e: {  	_ =	shalt  }
0x4f: {  	_ =	shalt  }
0x50: {  	_ =	shalt  }
0x51: {  	_ =	shalt  }
0x52: {  	_ =	shalt  }
0x53: {  	_ =	shalt  }
0x54: {  	_ =	shalt  }
0x55: {  	_ =	shalt  }
0x56: {  	_ =	shalt  }
0x57: {  	_ =	shalt  }
0x58: {  	_ =	shalt  }
0x59: {  	_ =	shalt  }
0x5a: {  	_ =	shalt  }
0x5b: {  	_ =	shalt  }
0x5c: {  	_ =	shalt  }
0x5d: {  	_ =	shalt  }
0x5e: {  	_ =	shalt  }
0x5f: {  	_ =	shalt  }
0x60: {  	_ =	shalt  }
0x61: {  	_ =	shalt  }
0x62: {  	_ =	shalt  }
0x63: {  	_ =	shalt  }
0x64: {  	_ =	shalt  }
0x65: {  	_ =	shalt  }
0x66: {  	_ =	shalt  }
0x67: {  	_ =	shalt  }
0x68: {  	_ =	shalt  }
0x69: {  	_ =	shalt  }
0x6a: {  	_ =	shalt  }
0x6b: {  	_ =	shalt  }
0x6c: {  	_ =	shalt  }
0x6d: {  	_ =	shalt  }
0x6e: {  	_ =	shalt  }
0x6f: {  	_ =	shalt  }
0x70: {  	_ =	shalt  }
0x71: {  	_ =	shalt  }
0x72: {  	_ =	shalt  }
0x73: {  	_ =	shalt  }
0x74: {  	_ =	shalt  }
0x75: {  	_ =	shalt  }
0x76: {  	_ =	shalt  }
0x77: {  	_ =	shalt  }
0x78: {  	_ =	shalt  }
0x79: {  	_ =	shalt  }
0x7a: {  	_ =	shalt  }
0x7b: {  	_ =	shalt  }
0x7c: {  	_ =	shalt  }
0x7d: {  	_ =	shalt  }
0x7e: {  	_ =	shalt  }
0x7f: {  	_ =	shalt  }
0x80: {  	_ =	shalt  }
0x81: {  	_ =	shalt  }
0x82: {  	_ =	shalt  }
0x83: {  	_ =	shalt  }
0x84: {  	_ =	shalt  }
0x85: {  	_ =	shalt  }
0x86: {  	_ =	shalt  }
0x87: {  	_ =	shalt  }
.Lfunc_end0:
.L_simem_size_0:
called_computation_lowered:
.L_overlay_start_0:
0x88: {  	s2 =	sld [smem:$0x3FD9]  }
0x89: {  	s3 =	sld [smem:$0x3FFE];
	_ =	sdelay $0x1  }
0x8a: {  	s1 =	srdreg.scid  }
0x8b: {  	s0 =	sand.u32 $0x1, s1  }
0x8c: {  	s14 =	sshll.u32 s0, $0xA;
	s2 =	sadd.s32 s3, s2  }
0x8d: {  	s2 =	sadd.s32 s2, s14  }
0x8e: {  	[smem:$0x3FC5] =	sst s2  }
0x8f: {  	_ = 	snop  }
0x90: {  	s2 =	sld [smem:$0x3FD0];
	_ =	sdelay $0x2  }
0x91: {  	s4 =	simm.s32 $0xA;
	s5 =	simm.s32 $0x10;
	s15 =	sld [smem:$0x3FC9]  }
0x92: {  	[smem:s5], [sflag:s4] =	dma.local [hbm:s2], $0x1  }
0x93: {  	_ =	swait.eq [sflag:s4], $0x1  }
0x94: {  	[sflag:s4] =	ssyncset.done $0x0  }
0x95: {  	s16 =	sld [smem:$0x10];
	[sflag:s4] =	ssyncadd.s32 $0xFFFFFFFF  }
0x96: {  	s17 =	sld [smem:$0x12];
	(tm) =	ssettm $0x1  }
0x97: {  	s18 =	sld [smem:$0x3FFB];
	_ =	sdelay $0x3  }
0x98: {  	_ =	strace s18  }
0x99: {  	s5 =	sld [smem:$0x3FFC];
	_ =	sdelay $0x3  }
0x9a: {  	_ =	strace s5  }
0x9b: {  	s5 =	sld [smem:$0x3FFD];
	_ =	sdelay $0x3  }
0x9c: {  	_ =	strace s5  }
0x9d: {  	_ =	strace $0x8FFFFFFF  }
0x9e: {  	s19 =	sld [smem:$0x3FDB];
	_ =	sdelay $0x1  }
0x9f: {  	s6 =	simm.s32 $_scs_section_size  }
0xa0: {  	s7 =	simm.s32 $_size__tile_overlayer_lowered;
	s8 =	simm.s32 $_tile_overlayer_lowered  }
0xa1: {  	s22 =	simm.s32 $0x1BFF;
	s21 =	sshll.u32 s8, $0x1;
	s5 =	sadd.s32 s6, s19  }
0xa2: {  	s9 =	simm.s32 $0x0;
	s20 =	sshll.u32 s7, $0x1;
	s7 =	sadd.s32 s21, s5  }
0xa3: {  	[timem:s9], [sflag:s22] =	dma.local [hbm:s7], s20  }
0xa4: {  	_ =	swait.ge [sflag:s22], s20  }
0xa5: {  	s6 =	ssub.s32 $0x0, s20;
	[sflag:s22] =	ssyncset.done $0x0  }
0xa6: {  	[sflag:s22] =	ssyncadd.s32 s6;
	_ =	sdelay $0x1  }
0xa7: {  	s23 =	simm.s32 $0x1B8B  }
0xa8: {  	_ =	swait.ge [sflag:s23], $0x1  }
0xa9: {  	[sflag:s23] =	ssyncset.done $0x0  }
0xaa: {  	s25 =	simm.s32 $0x1B8E;
	s24 =	sld [smem:$0x3FFE];
	[sflag:s23] =	ssyncadd.s32 $0xFFFFFFFF  }
0xab: {  	s26 =	simm.s32 $execute0_lowered;
	[smem:$0x3FD2] =	sst s25  }
0xac: {  	s7 =	sshll.u32 s26, $0x1;
	_ =	strace $0x80000046;
	[dreg:$0x1] =	wrdreg $0xFFFFFFFF  }
0xad: {  	s28 =	simm.s32 $_size_execute0_lowered;
	s5 =	sadd.s32 s5, s7;
	[dreg:$0x0] =	wrdreg $0x0  }
0xae: {  	s7 =	sshll.u32 s28, $0x1;
	[dreg:$0x2] =	wrdreg s5  }
0xaf: {  	[dreg:$0x3] =	wrdreg s7  }
0xb0: {  	[dreg:$0x4] =	wrdreg $0xC0  }
0xb1: {  	_ =	task [dreg:s9], $0x5FFFF  }
0xb2: {  	[dreg:$0x1] =	wrdreg $0xFFFFFFFF  }
0xb3: {  	[dreg:$0x0] =	wrdreg $0x60  }
0xb4: {  	[dreg:$0x2] =	wrdreg s15  }
0xb5: {  	[dreg:$0x3] =	wrdreg s24  }
0xb6: {  	[dreg:$0x4] =	wrdreg s17  }
0xb7: {  	[dreg:$0x5] =	wrdreg s16  }
0xb8: {  	[dreg:$0x6] =	wrdreg $0x9  }
0xb9: {  	_ =	task.clear_ibuf [dreg:s9], $0x7FFFF;
	_ =	strace $0x90000046  }
0xba: {  	s29 =	simm.s32 $0x9;
	_ =	strace $0x80000048  }
0xbb: {  	_ =	swait.ge [sflag:s29], $0x1  }
0xbc: {  	[sflag:s29] =	ssyncadd.s32 $0xFFFFFFFF  }
0xbd: {  	_ =	strace $0x90000048  }
0xbe: {  	_ =	sfence  }
0xbf: {  	s30 =	sld [smem:$0x0];
	_ =	sdelay $0x2  }
0xc0: {  	s31 =	sshll.u32 s1, $0xD;
	s1 =	sshrl.u32 s1, $0x2  }
0xc1: {  	s3 =	sand.u32 $0x4000, s31;
	s1 =	sadd.s32 s1, s30  }
0xc2: {  	s0 =	sor.u32 s3, s0;
	s1 =	sshll.u32 s1, $0x11  }
0xc3: {  	s0 =	sor.u32 s1, s0  }
0xc4: {  	s0 =	sadd.s32 $0x8F2B, s0  }
0xc5: {  	[sflag:s0] =	ssyncadd.remote.s32 $0x1  }
0xc6: {  	_ =	sfence.sel $0xFFFF  }
0xc7: {  	[dreg:$0x0] =	wrdreg $0xFFFFFFFF;
	(pc) =	sbr.abs _section_cstart, $3  }
0xc8: {  	[dreg:$0x1] =	wrdreg $0xFFFFFFFF  }
0xc9: {  	_ =	task.clear_ibuf [dreg:s9], $0x2FFFF;
	_ =	strace $0x9FFFFFFF  }
0xca: {  	(tm) =	ssettm $0x7FFFFFFF  }
0xcb: {  	_ =	shalt  }
tec
execute0_lowered:
.L_overlay_start_1:
0x0: {  	(tag) =	ssettag $0x1  }
0x1: {  	s1 =	rddreg [dreg:$0x0]  }
0x2: {  	s2 =	rddreg [dreg:$0x1];
	s3 =	srdreg.scid  }
0x3: {  	s5 =	rddreg [dreg:$0x2];
	s0 =	stileid.u32  }
0x4: {  	s7 =	rddreg [dreg:$0x3];
	s4 =	simm.s32 $0x0;
	s12 =	simm.s32 $0x1080  }
0x5: {  	s13 =	simm.s32 $0x1880;
	s14 =	simm.s32 $0x2080;
	s15 =	simm.s32 $0x2880  }
0x6: {  	s16 =	simm.s32 $0x3080;
	s17 =	simm.s32 $0x3880;
	s18 =	simm.s32 $0x4080  }
0x7: {  	s19 =	simm.s32 $0x4880;
	s20 =	simm.s32 $0x5080;
	s21 =	simm.s32 $0x5880  }
0x8: {  	s22 =	simm.s32 $0x6080;
	s23 =	simm.s32 $0x6880;
	s24 =	simm.s32 $0x7080  }
0x9: {  	s25 =	simm.s32 $0x7880;
	s26 =	simm.s32 $0x1;
	s28 =	simm.s32 $0x8080  }
0xa: {  	s6 =	sand.u32 $0x1, s3;
	s8 =	sshll.u32 s0, $0x8;
	s3 =	rddreg [dreg:$0x4]  }
0xb: {  	[smem:$0x7FF] =	sst s4;
	s9 =	sshll.u32 s6, $0x7;
	s6 =	ssub.s32 $0x2, s6  }
0xc: {  	_ =	strace $0x80000047;
	s8 =	sor.u32 s9, s8;
	s10 =	sshrl.u32 s6, $0x1  }
0xd: {  	s9 =	sshll.u32 s8, $0x4;
	s11 =	sshrl.u32 s8, $0x3;
	s8 =	sshll.u32 s8, $0x5  }
0xe: {  	v2 =	vlaneseq.u32;
	s10 =	ssub.s32 s6, s10;
	s9 =	sadd.s32 s9, s2;
	s5 =	sadd.s32 s5, s11  }
0xf: {  	vm0 =	vmmov $0xffff;
	v1 =	vshrl.u32 v2, $0x3;
	s6 =	sadd.s32 s7, s8;
	s8 =	smax.u32 s10, $0x1;
	s10 =	simm.s32 $0x80  }
0x10: {  	v0 =	vand.u32 $0x7, v2;
	v2 =	vor.u32 $0x8, v2;
	v1 =	vmul.u32 $0x8, v1;
	s11 =	simm.s32 $0x880;
	s7 =	sadd.s32 $0x40000, s9;
	s9 =	simm.s32 $0x2  }
.LBB2_1:
0x11: {  	[tilespmem:s4], [sflag:$0x2] =	stream.linear.gather [hbm4b:s5+s4], $0x80, $0x38;
	[tilespmem:$0xC080] =	vst v63  }
0x12: {  	_ =	swait.ge [sflag:s9], $0x80  }
0x13: {  	[sflag:s9] =	ssyncset.done $0x0  }
0x14: {  	[sflag:s9] =	ssyncadd.s32 $0xFFFFFF80  }
0x15: {  	v3 =	vld [tilespmem:$0x0];
	_ =	sdelay $0x4  }
0x16: {  	v4 =	vshll.u32 v3, $0x1  }
0x17: {  	v3 =	vand.u32 $0x7, v3;
	v4 =	vand.u32 $0xFFFFFFF0, v4  }
0x18: {  	v3 =	vor.u32 v3, v4  }
0x19: {  	v4 =	vperm.xlane v3, v0;
	_ =	sdelay $0x1  }
0x1a: {  	v3 =	vperm.xlane v3, v2;
	v4 =	vadd.s32 v1, v4;
	_ =	sdelay $0x1  }
0x1b: {  	v3 =	vadd.s32 v1, v3;
	_ =	sdelay $0x2  }
0x1c: {  	[tilespmem:s10], [sflag:$0x1] =	stream.indirect_vreg.gather [hbm4b:s1+s4], $0x80, v4, vm0, $0xb8;
	[tilespmem:$0xC080] =	vst v63  }
0x1d: {  	_ = 	snop  }
0x1e: {  	[tilespmem:s11], [sflag:$0x1] =	stream.indirect_vreg.gather [hbm4b:s1+s4], $0x80, v3, vm0, $0xb8;
	[tilespmem:$0xC080] =	vst v63  }
0x1f: {  	v3 =	vld [tilespmem:$0x10];
	_ =	sdelay $0x4  }
0x20: {  	v57 =	vshll.u32 v3, $0x1  }
0x21: {  	v3 =	vand.u32 $0x7, v3;
	v4 =	vand.u32 $0xFFFFFFF0, v57  }
0x22: {  	v3 =	vor.u32 v3, v4  }
0x23: {  	v4 =	vperm.xlane v3, v0;
	_ =	sdelay $0x1  }
0x24: {  	v3 =	vperm.xlane v3, v2;
	v4 =	vadd.s32 v1, v4;
	_ =	sdelay $0x1  }
0x25: {  	v3 =	vadd.s32 v1, v3;
	_ =	sdelay $0x2  }
0x26: {  	[tilespmem:s12], [sflag:$0x1] =	stream.indirect_vreg.gather [hbm4b:s1+s4], $0x80, v4, vm0, $0xb8;
	[tilespmem:$0xC080] =	vst v63  }
0x27: {  	_ = 	snop  }
0x28: {  	[tilespmem:s13], [sflag:$0x1] =	stream.indirect_vreg.gather [hbm4b:s1+s4], $0x80, v3, vm0, $0xb8;
	[tilespmem:$0xC080] =	vst v63  }
0x29: {  	v3 =	vld [tilespmem:$0x20];
	_ =	sdelay $0x4  }
0x2a: {  	v58 =	vshll.u32 v3, $0x1  }
0x2b: {  	v3 =	vand.u32 $0x7, v3;
	v4 =	vand.u32 $0xFFFFFFF0, v58  }
0x2c: {  	v3 =	vor.u32 v3, v4  }
0x2d: {  	v4 =	vperm.xlane v3, v0;
	_ =	sdelay $0x1  }
0x2e: {  	v3 =	vperm.xlane v3, v2;
	v4 =	vadd.s32 v1, v4;
	_ =	sdelay $0x1  }
0x2f: {  	v3 =	vadd.s32 v1, v3;
	_ =	sdelay $0x2  }
0x30: {  	[tilespmem:s14], [sflag:$0x1] =	stream.indirect_vreg.gather [hbm4b:s1+s4], $0x80, v4, vm0, $0xb8;
	[tilespmem:$0xC080] =	vst v63  }
0x31: {  	_ = 	snop  }
0x32: {  	[tilespmem:s15], [sflag:$0x1] =	stream.indirect_vreg.gather [hbm4b:s1+s4], $0x80, v3, vm0, $0xb8;
	[tilespmem:$0xC080] =	vst v63  }
0x33: {  	v3 =	vld [tilespmem:$0x30];
	_ =	sdelay $0x4  }
0x34: {  	v59 =	vshll.u32 v3, $0x1  }
0x35: {  	v3 =	vand.u32 $0x7, v3;
	v4 =	vand.u32 $0xFFFFFFF0, v59  }
0x36: {  	v3 =	vor.u32 v3, v4  }
0x37: {  	v4 =	vperm.xlane v3, v0;
	_ =	sdelay $0x1  }
0x38: {  	v3 =	vperm.xlane v3, v2;
	v4 =	vadd.s32 v1, v4;
	_ =	sdelay $0x1  }
0x39: {  	v3 =	vadd.s32 v1, v3;
	_ =	sdelay $0x2  }
0x3a: {  	[tilespmem:s16], [sflag:$0x1] =	stream.indirect_vreg.gather [hbm4b:s1+s4], $0x80, v4, vm0, $0xb8;
	[tilespmem:$0xC080] =	vst v63  }
0x3b: {  	_ = 	snop  }
0x3c: {  	[tilespmem:s17], [sflag:$0x1] =	stream.indirect_vreg.gather [hbm4b:s1+s4], $0x80, v3, vm0, $0xb8;
	[tilespmem:$0xC080] =	vst v63  }
0x3d: {  	v3 =	vld [tilespmem:$0x40];
	_ =	sdelay $0x4  }
0x3e: {  	v60 =	vshll.u32 v3, $0x1  }
0x3f: {  	v3 =	vand.u32 $0x7, v3;
	v4 =	vand.u32 $0xFFFFFFF0, v60  }
0x40: {  	v3 =	vor.u32 v3, v4  }
0x41: {  	v4 =	vperm.xlane v3, v0;
	_ =	sdelay $0x1  }
0x42: {  	v3 =	vperm.xlane v3, v2;
	v4 =	vadd.s32 v1, v4;
	_ =	sdelay $0x1  }
0x43: {  	v3 =	vadd.s32 v1, v3;
	_ =	sdelay $0x2  }
0x44: {  	[tilespmem:s18], [sflag:$0x1] =	stream.indirect_vreg.gather [hbm4b:s1+s4], $0x80, v4, vm0, $0xb8;
	[tilespmem:$0xC080] =	vst v63  }
0x45: {  	_ = 	snop  }
0x46: {  	[tilespmem:s19], [sflag:$0x1] =	stream.indirect_vreg.gather [hbm4b:s1+s4], $0x80, v3, vm0, $0xb8;
	[tilespmem:$0xC080] =	vst v63  }
0x47: {  	v3 =	vld [tilespmem:$0x50];
	_ =	sdelay $0x4  }
0x48: {  	v61 =	vshll.u32 v3, $0x1  }
0x49: {  	v3 =	vand.u32 $0x7, v3;
	v4 =	vand.u32 $0xFFFFFFF0, v61  }
0x4a: {  	v3 =	vor.u32 v3, v4  }
0x4b: {  	v4 =	vperm.xlane v3, v0;
	_ =	sdelay $0x1  }
0x4c: {  	v3 =	vperm.xlane v3, v2;
	v4 =	vadd.s32 v1, v4;
	_ =	sdelay $0x1  }
0x4d: {  	v3 =	vadd.s32 v1, v3;
	_ =	sdelay $0x2  }
0x4e: {  	[tilespmem:s20], [sflag:$0x1] =	stream.indirect_vreg.gather [hbm4b:s1+s4], $0x80, v4, vm0, $0xb8;
	[tilespmem:$0xC080] =	vst v63  }
0x4f: {  	_ = 	snop  }
0x50: {  	[tilespmem:s21], [sflag:$0x1] =	stream.indirect_vreg.gather [hbm4b:s1+s4], $0x80, v3, vm0, $0xb8;
	[tilespmem:$0xC080] =	vst v63  }
0x51: {  	v3 =	vld [tilespmem:$0x60];
	_ =	sdelay $0x4  }
0x52: {  	v62 =	vshll.u32 v3, $0x1  }
0x53: {  	v3 =	vand.u32 $0x7, v3;
	v4 =	vand.u32 $0xFFFFFFF0, v62  }
0x54: {  	v3 =	vor.u32 v3, v4  }
0x55: {  	v4 =	vperm.xlane v3, v0;
	_ =	sdelay $0x1  }
0x56: {  	v3 =	vperm.xlane v3, v2;
	v4 =	vadd.s32 v1, v4;
	_ =	sdelay $0x1  }
0x57: {  	v3 =	vadd.s32 v1, v3;
	_ =	sdelay $0x2  }
0x58: {  	[tilespmem:s22], [sflag:$0x1] =	stream.indirect_vreg.gather [hbm4b:s1+s4], $0x80, v4, vm0, $0xb8;
	[tilespmem:$0xC080] =	vst v63  }
0x59: {  	_ = 	snop  }
0x5a: {  	[tilespmem:s23], [sflag:$0x1] =	stream.indirect_vreg.gather [hbm4b:s1+s4], $0x80, v3, vm0, $0xb8;
	[tilespmem:$0xC080] =	vst v63  }
0x5b: {  	v3 =	vld [tilespmem:$0x70];
	_ =	sdelay $0x4  }
0x5c: {  	v63 =	vshll.u32 v3, $0x1  }
0x5d: {  	v3 =	vand.u32 $0x7, v3;
	v4 =	vand.u32 $0xFFFFFFF0, v63  }
0x5e: {  	v3 =	vor.u32 v3, v4  }
0x5f: {  	v4 =	vperm.xlane v3, v0;
	_ =	sdelay $0x1  }
0x60: {  	v3 =	vperm.xlane v3, v2;
	v4 =	vadd.s32 v1, v4;
	_ =	sdelay $0x1  }
0x61: {  	v3 =	vadd.s32 v1, v3;
	_ =	sdelay $0x2  }
0x62: {  	[tilespmem:s24], [sflag:$0x1] =	stream.indirect_vreg.gather [hbm4b:s1+s4], $0x80, v4, vm0, $0xb8;
	[tilespmem:$0xC080] =	vst v63  }
0x63: {  	_ = 	snop  }
0x64: {  	[tilespmem:s25], [sflag:$0x1] =	stream.indirect_vreg.gather [hbm4b:s1+s4], $0x80, v3, vm0, $0xb8;
	[tilespmem:$0xC080] =	vst v63  }
0x65: {  	_ =	swait.ge [sflag:s26], $0x8000  }
0x66: {  	[sflag:s26] =	ssyncset.done $0x0  }
0x67: {  	[sflag:s26] =	ssyncadd.s32 $0xFFFF8000  }
0x68: {  	[hbm4b:s6+s4] =	stream.linear.scatter [tilespmem:s10], [sflag:$0x2], $0x8000, $0x38;
	[tilespmem:$0xC080] =	vst v63  }
0x69: {  	_ =	swait.ge [sflag:s9], $0x8000  }
0x6a: {  	[sflag:s9] =	ssyncset.done $0x0  }
0x6b: {  	[sflag:s9] =	ssyncadd.s32 $0xFFFF8000  }
0x6c: {  	[tilespmem:s28], [sflag:$0x1] =	stream.indirect.gather [hbm4b:s2+s10], $0x80, s4, s10, $0xb8;
	[tilespmem:$0xC080] =	vst v63  }
0x6d: {  	_ =	swait.ge [sflag:s26], $0x4000  }
0x6e: {  	p0 =	sne.s32 s8, $0x1;
	[sflag:s26] =	ssyncset.done $0x0  }
.Ltmp0:
0x6f: {  	[sflag:s26] =	ssyncadd.s32 $0xFFFFC000;
	(pc) =	sbr.rel @p0 .LBB2_1-.Ltmp0, $4  }
0x70: {  	[hbm4b:s7+s4] =	stream.linear.scatter [tilespmem:s28], [sflag:$0x2], $0x4000, $0x38;
	[tilespmem:$0xC080] =	vst v63  }
0x71: {  	_ =	swait.ge [sflag:s9], $0x4000  }
0x72: {  	[sflag:s9] =	ssyncset.done $0x0  }
0x73: {  	s8 =	sadd.s32 $0xFFFFFFFF, s8;
	[sflag:s9] =	ssyncadd.s32 $0xFFFFC000  }
0x74: {  	_ =	sfence.sel $0x180000  }
0x75: {  	[bflag:$0x0] =	sbarrier.arrive $0xFFFF  }
0x76: {  	p0 =	sne.s32 s0, $0x0;
	_ =	strace $0x90000047  }
0x77: {  	s0 =	sadd.s32 @!p0 $0x100000, s3;
	[bflag:$0x2] =	sbarrier.arrive $0xFFFF  }
0x78: {  	[sflag:s0] =	ssyncadd.tile.s32 @!p0 $0x1;
	_ =	shalt  }
.Lfunc_end2:
_tile_overlayer_lowered:
.L_overlay_start_2:
0x79: {  	(tag) =	ssettag $0x2  }
0x7a: {  	s0 =	rddreg [dreg:$0x0];
	s2 =	stileid.u32  }
0x7b: {  	s1 =	rddreg [dreg:$0x1];
	p0 =	sne.s32 s2, $0x0  }
0x7c: {  	s3 =	rddreg [dreg:$0x2];
	[bflag:$0x3] =	sbarrier.arrive $0xFFFF;
	s2 =	simm.s32 @!p0 $0x1C02  }
0x7d: {  	[timem:s3], [sflag:s2] =	dma.local @!p0 [hbm:s0], s1  }
0x7e: {  	s0 =	simm.s32 @!p0 $0x2  }
0x7f: {  	_ =	swait.ge @!p0 [sflag:s0], s1  }
0x80: {  	s1 =	ssub.s32 @!p0 $0x0, s1;
	[sflag:s0] =	ssyncset.done @!p0 $0x0  }
0x81: {  	[sflag:s0] =	ssyncadd.s32 @!p0 s1  }
0x82: {  	[bflag:$0x3] =	sbarrier.arrive $0xFFFF  }
0x83: {  	_ =	shalt  }

</sc_bundles>
